<compile_context>
chip_gen: v7x
topology: tpu7x:2x2x1
jax: 0.10.2.dev20260603
libtpu: 0.0.44.dev20260713+nightly
codegen_flags: <defaults>
</compile_context>

<pallas_src>
import functools

import jax
import jax.numpy as jnp
from jax import lax
from jax.experimental import pallas as pl
from jax.experimental.pallas import tpu as pltpu
from jax.experimental.pallas import tpu_sc as plsc

NC = 2
NS = 16
NW = NC * NS


def _sc_gather_scatter_add(table, src1, dst1, zrows, NCH, C):
    N, D = table.shape
    NB = 4
    GA = NB - 2
    IA = NB - 1
    assert NCH >= NB + 2
    NACC = N
    RA = ((N // NS) + 7) // 8 * 8
    RL = N - RA * (NS - 1)
    assert RL > 0 and RA % 8 == 0 and RL % 8 == 0
    mesh = plsc.VectorSubcoreMesh(core_axis_name="c", subcore_axis_name="s")

    @functools.partial(
        pl.kernel,
        out_type=jax.ShapeDtypeStruct((NC, N, D), jnp.float32),
        mesh=mesh,
        scratch_types=[
            [pltpu.VMEM((C,), jnp.int32) for _ in range(NB)],
            [pltpu.VMEM((C,), jnp.int32) for _ in range(NB)],
            [pltpu.VMEM((C, D), jnp.float32) for _ in range(NB)],
            pltpu.VMEM_SHARED((NACC, D), jnp.float32),
            [pltpu.SemaphoreType.DMA for _ in range(NB)],
            [pltpu.SemaphoreType.DMA for _ in range(NB)],
            [pltpu.SemaphoreType.DMA for _ in range(NB)],
            pltpu.SemaphoreType.DMA,
        ],
    )
    def k(table_hbm, src_hbm, dst_hbm, z_hbm, out_hbm,
          sbuf, dbuf, rows, acc, isem, gsem, ssem, zsem):
        c = lax.axis_index("c")
        s = lax.axis_index("s")
        wid = c * NS + s
        base = wid * NCH * C

        @pl.when(s < NS - 1)
        def _():
            pltpu.async_copy(z_hbm, acc.at[pl.ds(s * RA, RA)], zsem)

        @pl.when(s == NS - 1)
        def _():
            pltpu.async_copy(z_hbm.at[pl.ds(0, RL)],
                            acc.at[pl.ds((NS - 1) * RA, RL)], zsem)

        def issue_idx(j, b):
            off = base + j * C
            pltpu.async_copy(src_hbm.at[pl.ds(off, C)], sbuf[b], isem[b])
            pltpu.async_copy(dst_hbm.at[pl.ds(off, C)], dbuf[b], isem[b])

        def wait_idx(b):
            pltpu.make_async_copy(src_hbm.at[pl.ds(0, C)], sbuf[b],
                                  isem[b]).wait()
            pltpu.make_async_copy(dst_hbm.at[pl.ds(0, C)], dbuf[b],
                                  isem[b]).wait()

        def issue_gather(b):
            pltpu.async_copy(table_hbm.at[sbuf[b]], rows[b], gsem[b])

        def wait_gather(b):
            pltpu.make_async_copy(table_hbm.at[pl.ds(0, C)], rows[b],
                                  gsem[b]).wait()

        def issue_scatter(b):
            pltpu.async_copy(rows[b], acc.at[dbuf[b]], ssem[b], add=True)

        def wait_scatter(b):
            pltpu.make_async_copy(rows[b], acc.at[pl.ds(0, C)],
                                  ssem[b]).wait()

        def steady(j, b, *, first=False, tail=False):
            if not first:
                wait_scatter((b - 1) % NB)
            if not tail:
                @pl.when(j + IA < NCH)
                def _():
                    issue_idx(j + IA, (b - 1) % NB)

                @pl.when(j + GA < NCH)
                def _():
                    wait_idx((b + GA) % NB)
                    issue_gather((b + GA) % NB)
            wait_gather(b)
            issue_scatter(b)

        for b in range(IA):
            issue_idx(b, b)
        for b in range(GA):
            wait_idx(b)
            issue_gather(b)

        @pl.when(s < NS - 1)
        def _():
            pltpu.make_async_copy(z_hbm, acc.at[pl.ds(s * RA, RA)],
                                  zsem).wait()

        @pl.when(s == NS - 1)
        def _():
            pltpu.make_async_copy(z_hbm.at[pl.ds(0, RL)],
                                  acc.at[pl.ds((NS - 1) * RA, RL)],
                                  zsem).wait()

        plsc.subcore_barrier()
        steady(0, 0, first=True)

        KMAIN = (NCH - 1) // NB

        @pl.loop(0, KMAIN)
        def _(p):
            for bp in range(NB):
                steady(NB * p + 1 + bp, (1 + bp) % NB)

        for j in range(NB * KMAIN + 1, NCH):
            steady(j, j % NB, tail=True)
        wait_scatter((NCH - 1) % NB)

        plsc.subcore_barrier()

        @pl.when(s < NS - 1)
        def _():
            pltpu.sync_copy(acc.at[pl.ds(s * RA, RA)],
                            out_hbm.at[c, pl.ds(s * RA, RA)])

        @pl.when(s == NS - 1)
        def _():
            pltpu.sync_copy(acc.at[pl.ds((NS - 1) * RA, RL)],
                            out_hbm.at[c, pl.ds((NS - 1) * RA, RL)])

    return k(table, src1, dst1, zrows)


def _tc_layer(a0, a1, feats, W, b, lam):
    N, D = feats.shape
    R = 1000
    G = N // R

    def body(a0_ref, a1_ref, f_ref, w_ref, b_ref, lam_ref, o_ref):
        z = a0_ref[...] + a1_ref[...] + lam_ref[0, 0] * f_ref[...]
        y = jnp.dot(z, w_ref[...], preferred_element_type=jnp.float32)
        o_ref[...] = jax.nn.sigmoid(y + b_ref[...])

    return pl.pallas_call(
        body,
        grid=(G,),
        in_specs=[
            pl.BlockSpec((R, D), lambda i: (i, 0)),
            pl.BlockSpec((R, D), lambda i: (i, 0)),
            pl.BlockSpec((R, D), lambda i: (i, 0)),
            pl.BlockSpec((D, D), lambda i: (0, 0)),
            pl.BlockSpec((1, D), lambda i: (0, 0)),
            pl.BlockSpec((1, 1), lambda i: (0, 0)),
        ],
        out_specs=pl.BlockSpec((R, D), lambda i: (i, 0)),
        out_shape=jax.ShapeDtypeStruct((N, D), jnp.float32),
    )(a0, a1, feats, W, b, lam)


def _tc_layer_final(a0, a1, feats, W, b, lam, fcw_row, fcb):
    N, D = feats.shape
    R = 1000
    G = N // R

    def body(a0_ref, a1_ref, f_ref, w_ref, b_ref, lam_ref, fcw_ref, fcb_ref,
             out_ref, gr_ref):
        i = pl.program_id(0)
        z = a0_ref[...] + a1_ref[...] + lam_ref[0, 0] * f_ref[...]
        y = jax.nn.sigmoid(
            jnp.dot(z, w_ref[...], preferred_element_type=jnp.float32)
            + b_ref[...])

        @pl.when(i == 0)
        def _():
            gr_ref[...] = jnp.zeros_like(gr_ref)

        gr_ref[...] += jnp.sum(y, axis=0, keepdims=True)

        @pl.when(i == G - 1)
        def _():
            out_ref[...] = (jnp.sum(gr_ref[...] * fcw_ref[...], axis=1,
                                    keepdims=True) + fcb_ref[...])

    blk = lambda r, c: pl.BlockSpec((r, c), lambda i: (i, 0))
    const = lambda r, c: pl.BlockSpec((r, c), lambda i: (0, 0))
    out, gr = pl.pallas_call(
        body,
        grid=(G,),
        in_specs=[
            blk(R, D), blk(R, D), blk(R, D),
            const(D, D), const(1, D), const(1, 1),
            const(1, D), const(1, 1),
        ],
        out_specs=[const(1, 1), const(1, D)],
        out_shape=[
            jax.ShapeDtypeStruct((1, 1), jnp.float32),
            jax.ShapeDtypeStruct((1, D), jnp.float32),
        ],
    )(a0, a1, feats, W, b, lam, fcw_row, fcb)
    return out, gr


def kernel(x, edge_index, W1, b1, adj1, W2, b2, adj2, fc_W, fc_b):
    N, D = x.shape
    src = edge_index[0].astype(jnp.int32)
    dst = edge_index[1].astype(jnp.int32)
    zrows = jnp.zeros((((N // NS) + 7) // 8 * 8, D), jnp.float32)
    b1r = b1.reshape(1, D)
    b2r = b2.reshape(1, D)
    lam1 = adj1.reshape(1, 1).astype(jnp.float32)
    lam2 = adj2.reshape(1, 1).astype(jnp.float32)
    fcw_row = fc_W.reshape(1, D)
    fcb = fc_b.reshape(1, 1)

    C = 80
    E = src.shape[0]
    assert E % (NW * C) == 0
    NCH = E // (NW * C)

    p1 = _sc_gather_scatter_add(x, src, dst, zrows, NCH, C)
    f1 = _tc_layer(p1[0], p1[1], x, W1, b1r, lam1)
    p2 = _sc_gather_scatter_add(f1, src, dst, zrows, NCH, C)
    out, gr = _tc_layer_final(p2[0], p2[1], f1, W2, b2r, lam2, fcw_row, fcb)
    return (out, gr)

# --- scband reference (transcript-rebuilt; emitter-appended) ---
"""Pipeline reference for scband-steerable-2-d-58858231824814 (READ-ONLY COPY).

The authoritative reference and input builder live on the scoring server;
editing this copy changes nothing except your own understanding.
"""

import jax, jax.numpy as jnp
import numpy as np

N = 10000
E = 320000
D = 128


def setup_inputs(seed: int = 0):
    key = jax.random.key(seed)
    ks = jax.random.split(key, 8)
    x = jax.random.normal(ks[0], (N, D), dtype=jnp.float32)
    edge_index = jax.random.randint(ks[1], (2, E), 0, N)
    W1 = jax.random.normal(ks[2], (D, D), dtype=jnp.float32) * (1.0 / np.sqrt(D))
    b1 = jnp.zeros((D,), dtype=jnp.float32)
    adj1 = jax.random.normal(ks[3], (), dtype=jnp.float32)
    W2 = jax.random.normal(ks[4], (D, D), dtype=jnp.float32) * (1.0 / np.sqrt(D))
    b2 = jnp.zeros((D,), dtype=jnp.float32)
    adj2 = jax.random.normal(ks[5], (), dtype=jnp.float32)
    fc_W = jax.random.normal(ks[6], (D, 1), dtype=jnp.float32) * (1.0 / np.sqrt(D))
    fc_b = jnp.zeros((1,), dtype=jnp.float32)
    return {"x": x, "edge_index": edge_index, "W1": W1, "b1": b1, "adj1": adj1,
            "W2": W2, "b2": b2, "adj2": adj2, "fc_W": fc_W, "fc_b": fc_b}


def reference(x, edge_index, W1, b1, adj1, W2, b2, adj2, fc_W, fc_b):
    # Tensorized Steerable_2D: per level lvl=1..lvls-1, each vertex aggregates
    # neighbor (receptive-field projected) features via scatter-add over edges,
    # adds adj_lambda-scaled self/adjacency term, then sigmoid(Linear(.)).
    # Final graph repr = sum over vertices of final-level features, then fc_layer.
    src = edge_index[0]
    dst = edge_index[1]
    feats = x
    for (W, b, lam) in ((W1, b1, adj1), (W2, b2, adj2)):
        msgs = jnp.take(feats, src, axis=0)            # gather neighbor features (chi projection)
        agg = jnp.zeros_like(feats).at[dst].add(msgs)  # sum over neighborhood
        agg = agg + lam * feats                        # adj_lambda * reduced adjacency term
        feats = jax.nn.sigmoid(agg @ W + b)            # nonlinearity(w_lvl(aggregate))
    g_repr = feats.sum(axis=0, keepdims=True)          # collapse_vtx_features
    out = g_repr @ fc_W + fc_b                         # fc_layer
    return (out, g_repr)

if __name__ == "__main__":
    import jax
    _d = setup_inputs()
    print(jax.jit(kernel)(*tuple(_d.values())))

</pallas_src>

<mosaic_0001>
#map = affine_map<(d0, d1) -> (0, 0)>
#map1 = affine_map<(d0, d1) -> (0)>
#map2 = affine_map<(d0, d1) -> (0, 0, 0)>
module attributes {stable_mosaic.version = 14 : i64} {
  func.func @k(%arg0: i32, %arg1: i32, %arg2: memref<10000x128xf32, #tpu.memory_space<hbm>>, %arg3: memref<320000xi32, #tpu.memory_space<hbm>>, %arg4: memref<320000xi32, #tpu.memory_space<hbm>>, %arg5: memref<632x128xf32, #tpu.memory_space<hbm>>, %arg6: memref<2x10000x128xf32, #tpu.memory_space<hbm>>, %arg7: memref<80xi32, #tpu.memory_space<vmem>>, %arg8: memref<80xi32, #tpu.memory_space<vmem>>, %arg9: memref<80xi32, #tpu.memory_space<vmem>>, %arg10: memref<80xi32, #tpu.memory_space<vmem>>, %arg11: memref<80xi32, #tpu.memory_space<vmem>>, %arg12: memref<80xi32, #tpu.memory_space<vmem>>, %arg13: memref<80xi32, #tpu.memory_space<vmem>>, %arg14: memref<80xi32, #tpu.memory_space<vmem>>, %arg15: memref<80x128xf32, #tpu.memory_space<vmem>>, %arg16: memref<80x128xf32, #tpu.memory_space<vmem>>, %arg17: memref<80x128xf32, #tpu.memory_space<vmem>>, %arg18: memref<80x128xf32, #tpu.memory_space<vmem>>, %arg19: memref<10000x128xf32, #tpu.memory_space<vmem_shared>>, %arg20: memref<!tpu.dma_semaphore, #tpu.memory_space<semaphore_mem>>, %arg21: memref<!tpu.dma_semaphore, #tpu.memory_space<semaphore_mem>>, %arg22: memref<!tpu.dma_semaphore, #tpu.memory_space<semaphore_mem>>, %arg23: memref<!tpu.dma_semaphore, #tpu.memory_space<semaphore_mem>>, %arg24: memref<!tpu.dma_semaphore, #tpu.memory_space<semaphore_mem>>, %arg25: memref<!tpu.dma_semaphore, #tpu.memory_space<semaphore_mem>>, %arg26: memref<!tpu.dma_semaphore, #tpu.memory_space<semaphore_mem>>, %arg27: memref<!tpu.dma_semaphore, #tpu.memory_space<semaphore_mem>>, %arg28: memref<!tpu.dma_semaphore, #tpu.memory_space<semaphore_mem>>, %arg29: memref<!tpu.dma_semaphore, #tpu.memory_space<semaphore_mem>>, %arg30: memref<!tpu.dma_semaphore, #tpu.memory_space<semaphore_mem>>, %arg31: memref<!tpu.dma_semaphore, #tpu.memory_space<semaphore_mem>>, %arg32: memref<!tpu.dma_semaphore, #tpu.memory_space<semaphore_mem>>) attributes {dimension_semantics = [#tpu.dimension_semantics<core_parallel>, #tpu.dimension_semantics<subcore_parallel>], iteration_bounds = array<i64: 2, 16>, scalar_prefetch = 0 : i64, scratch_operands = 26 : i64, tpu.core_type = #tpu.core_type<sc_vector_subcore>, window_params = [{transform_indices = #map}, {transform_indices = #map1}, {transform_indices = #map1}, {transform_indices = #map}, {transform_indices = #map2}]} {
    %mul3A = arith.constant 16 : i32
    %mul3A_0 = arith.muli %arg0, %mul3A : i32
    %add3A = arith.addi %mul3A_0, %arg1 : i32
    %mul3A_1 = arith.constant 125 : i32
    %mul3A_2 = arith.muli %add3A, %mul3A_1 : i32
    %mul3A_3 = arith.constant 80 : i32
    %mul3A_4 = arith.muli %mul3A_2, %mul3A_3 : i32
    %lt3A = arith.constant 15 : i32
    %lt3A_5 = arith.cmpi slt, %arg1, %lt3A : i32
    %convert_element_type3A = arith.extui %lt3A_5 : i1 to i32
    %cond3A = arith.constant 0 : i32
    %cond3A_6 = arith.cmpi ne, %convert_element_type3A, %cond3A : i32
    scf.if %cond3A_6 {
      %mul3A_106 = arith.constant 632 : i32
      %mul3A_107 = arith.muli %arg1, %mul3A_106 : i32
      %dma_start3A_108 = arith.constant 0 : i32
      %dma_start3A_109 = tpu.memref_slice %arg19[%mul3A_107, %dma_start3A_108] : memref<10000x128xf32, #tpu.memory_space<vmem_shared>> -> memref<632x128xf32, #tpu.memory_space<vmem_shared>>
      tpu.enqueue_dma source(%arg5 : memref<632x128xf32, #tpu.memory_space<hbm>>) target(%dma_start3A_109 : memref<632x128xf32, #tpu.memory_space<vmem_shared>>) target_semaphore(%arg32 : memref<!tpu.dma_semaphore, #tpu.memory_space<semaphore_mem>>)
    } else {
    }
    %eq3A = arith.constant 15 : i32
    %eq3A_7 = arith.cmpi eq, %arg1, %eq3A : i32
    %convert_element_type3A_8 = arith.extui %eq3A_7 : i1 to i32
    %cond3A_9 = arith.constant 0 : i32
    %cond3A_10 = arith.cmpi ne, %convert_element_type3A_8, %cond3A_9 : i32
    scf.if %cond3A_10 {
      %dma_start3A_106 = arith.constant 9480 : i32
      %dma_start3A_107 = arith.constant 0 : i32
      %dma_start3A_108 = tpu.memref_slice %arg19[%dma_start3A_106, %dma_start3A_107] : memref<10000x128xf32, #tpu.memory_space<vmem_shared>> -> memref<520x128xf32, #tpu.memory_space<vmem_shared>>
      %dma_start3A_109 = arith.constant 0 : i32
      %dma_start3A_110 = arith.constant 0 : i32
      %dma_start3A_111 = tpu.memref_slice %arg5[%dma_start3A_109, %dma_start3A_110] : memref<632x128xf32, #tpu.memory_space<hbm>> -> memref<520x128xf32, #tpu.memory_space<hbm>>
      tpu.enqueue_dma source(%dma_start3A_111 : memref<520x128xf32, #tpu.memory_space<hbm>>) target(%dma_start3A_108 : memref<520x128xf32, #tpu.memory_space<vmem_shared>>) target_semaphore(%arg32 : memref<!tpu.dma_semaphore, #tpu.memory_space<semaphore_mem>>)
    } else {
    }
    %add3A_11 = arith.constant 0 : i32
    %add3A_12 = arith.addi %mul3A_4, %add3A_11 : i32
    %dma_start3A = tpu.memref_slice %arg3[%add3A_12] : memref<320000xi32, #tpu.memory_space<hbm>> -> memref<80xi32, #tpu.memory_space<hbm>>
    %dma_start3A_13 = tpu.memref_slice %arg3[%add3A_12] : memref<320000xi32, #tpu.memory_space<hbm>> -> memref<80xi32, #tpu.memory_space<hbm>>
    tpu.enqueue_dma source(%dma_start3A_13 : memref<80xi32, #tpu.memory_space<hbm>>) target(%arg7 : memref<80xi32, #tpu.memory_space<vmem>>) target_semaphore(%arg20 : memref<!tpu.dma_semaphore, #tpu.memory_space<semaphore_mem>>)
    %dma_start3A_14 = tpu.memref_slice %arg4[%add3A_12] : memref<320000xi32, #tpu.memory_space<hbm>> -> memref<80xi32, #tpu.memory_space<hbm>>
    %dma_start3A_15 = tpu.memref_slice %arg4[%add3A_12] : memref<320000xi32, #tpu.memory_space<hbm>> -> memref<80xi32, #tpu.memory_space<hbm>>
    tpu.enqueue_dma source(%dma_start3A_15 : memref<80xi32, #tpu.memory_space<hbm>>) target(%arg11 : memref<80xi32, #tpu.memory_space<vmem>>) target_semaphore(%arg20 : memref<!tpu.dma_semaphore, #tpu.memory_space<semaphore_mem>>)
    %add3A_16 = arith.constant 80 : i32
    %add3A_17 = arith.addi %mul3A_4, %add3A_16 : i32
    %dma_start3A_18 = tpu.memref_slice %arg3[%add3A_17] : memref<320000xi32, #tpu.memory_space<hbm>> -> memref<80xi32, #tpu.memory_space<hbm>>
    %dma_start3A_19 = tpu.memref_slice %arg3[%add3A_17] : memref<320000xi32, #tpu.memory_space<hbm>> -> memref<80xi32, #tpu.memory_space<hbm>>
    tpu.enqueue_dma source(%dma_start3A_19 : memref<80xi32, #tpu.memory_space<hbm>>) target(%arg8 : memref<80xi32, #tpu.memory_space<vmem>>) target_semaphore(%arg21 : memref<!tpu.dma_semaphore, #tpu.memory_space<semaphore_mem>>)
    %dma_start3A_20 = tpu.memref_slice %arg4[%add3A_17] : memref<320000xi32, #tpu.memory_space<hbm>> -> memref<80xi32, #tpu.memory_space<hbm>>
    %dma_start3A_21 = tpu.memref_slice %arg4[%add3A_17] : memref<320000xi32, #tpu.memory_space<hbm>> -> memref<80xi32, #tpu.memory_space<hbm>>
    tpu.enqueue_dma source(%dma_start3A_21 : memref<80xi32, #tpu.memory_space<hbm>>) target(%arg12 : memref<80xi32, #tpu.memory_space<vmem>>) target_semaphore(%arg21 : memref<!tpu.dma_semaphore, #tpu.memory_space<semaphore_mem>>)
    %add3A_22 = arith.constant 160 : i32
    %add3A_23 = arith.addi %mul3A_4, %add3A_22 : i32
    %dma_start3A_24 = tpu.memref_slice %arg3[%add3A_23] : memref<320000xi32, #tpu.memory_space<hbm>> -> memref<80xi32, #tpu.memory_space<hbm>>
    %dma_start3A_25 = tpu.memref_slice %arg3[%add3A_23] : memref<320000xi32, #tpu.memory_space<hbm>> -> memref<80xi32, #tpu.memory_space<hbm>>
    tpu.enqueue_dma source(%dma_start3A_25 : memref<80xi32, #tpu.memory_space<hbm>>) target(%arg9 : memref<80xi32, #tpu.memory_space<vmem>>) target_semaphore(%arg22 : memref<!tpu.dma_semaphore, #tpu.memory_space<semaphore_mem>>)
    %dma_start3A_26 = tpu.memref_slice %arg4[%add3A_23] : memref<320000xi32, #tpu.memory_space<hbm>> -> memref<80xi32, #tpu.memory_space<hbm>>
    %dma_start3A_27 = tpu.memref_slice %arg4[%add3A_23] : memref<320000xi32, #tpu.memory_space<hbm>> -> memref<80xi32, #tpu.memory_space<hbm>>
    tpu.enqueue_dma source(%dma_start3A_27 : memref<80xi32, #tpu.memory_space<hbm>>) target(%arg13 : memref<80xi32, #tpu.memory_space<vmem>>) target_semaphore(%arg22 : memref<!tpu.dma_semaphore, #tpu.memory_space<semaphore_mem>>)
    %dma_wait3A = arith.constant 0 : i32
    %dma_wait3A_28 = tpu.memref_slice %arg3[%dma_wait3A] : memref<320000xi32, #tpu.memory_space<hbm>> -> memref<80xi32, #tpu.memory_space<hbm>>
    %dma_wait3A_29 = arith.constant 0 : i32
    %dma_wait3A_30 = tpu.memref_slice %arg3[%dma_wait3A_29] : memref<320000xi32, #tpu.memory_space<hbm>> -> memref<80xi32, #tpu.memory_space<hbm>>
    tpu.wait_dma2 semaphore(%arg20 : memref<!tpu.dma_semaphore, #tpu.memory_space<semaphore_mem>>) src(%dma_wait3A_30 : memref<80xi32, #tpu.memory_space<hbm>>) dst(%arg7 : memref<80xi32, #tpu.memory_space<vmem>>)
    %dma_wait3A_31 = arith.constant 0 : i32
    %dma_wait3A_32 = tpu.memref_slice %arg4[%dma_wait3A_31] : memref<320000xi32, #tpu.memory_space<hbm>> -> memref<80xi32, #tpu.memory_space<hbm>>
    %dma_wait3A_33 = arith.constant 0 : i32
    %dma_wait3A_34 = tpu.memref_slice %arg4[%dma_wait3A_33] : memref<320000xi32, #tpu.memory_space<hbm>> -> memref<80xi32, #tpu.memory_space<hbm>>
    tpu.wait_dma2 semaphore(%arg20 : memref<!tpu.dma_semaphore, #tpu.memory_space<semaphore_mem>>) src(%dma_wait3A_34 : memref<80xi32, #tpu.memory_space<hbm>>) dst(%arg11 : memref<80xi32, #tpu.memory_space<vmem>>)
    %dma_start3A_35 = arith.constant 0 : i32
    %dma_start3A_36 = arith.constant 0 : i32
    %dma_start3A_37 = tpu.memref_slice %arg2[%dma_start3A_35, %dma_start3A_36] : memref<10000x128xf32, #tpu.memory_space<hbm>> -> memref<10000x128xf32, #tpu.memory_space<hbm>>
    tpu.enqueue_indirect_dma source(%dma_start3A_37 : memref<10000x128xf32, #tpu.memory_space<hbm>>) target(%arg15 : memref<80x128xf32, #tpu.memory_space<vmem>>) offsets(%arg7 : memref<80xi32, #tpu.memory_space<vmem>>) semaphore(%arg24 : memref<!tpu.dma_semaphore, #tpu.memory_space<semaphore_mem>>)
    %dma_wait3A_38 = arith.constant 0 : i32
    %dma_wait3A_39 = tpu.memref_slice %arg3[%dma_wait3A_38] : memref<320000xi32, #tpu.memory_space<hbm>> -> memref<80xi32, #tpu.memory_space<hbm>>
    %dma_wait3A_40 = arith.constant 0 : i32
    %dma_wait3A_41 = tpu.memref_slice %arg3[%dma_wait3A_40] : memref<320000xi32, #tpu.memory_space<hbm>> -> memref<80xi32, #tpu.memory_space<hbm>>
    tpu.wait_dma2 semaphore(%arg21 : memref<!tpu.dma_semaphore, #tpu.memory_space<semaphore_mem>>) src(%dma_wait3A_41 : memref<80xi32, #tpu.memory_space<hbm>>) dst(%arg8 : memref<80xi32, #tpu.memory_space<vmem>>)
    %dma_wait3A_42 = arith.constant 0 : i32
    %dma_wait3A_43 = tpu.memref_slice %arg4[%dma_wait3A_42] : memref<320000xi32, #tpu.memory_space<hbm>> -> memref<80xi32, #tpu.memory_space<hbm>>
    %dma_wait3A_44 = arith.constant 0 : i32
    %dma_wait3A_45 = tpu.memref_slice %arg4[%dma_wait3A_44] : memref<320000xi32, #tpu.memory_space<hbm>> -> memref<80xi32, #tpu.memory_space<hbm>>
    tpu.wait_dma2 semaphore(%arg21 : memref<!tpu.dma_semaphore, #tpu.memory_space<semaphore_mem>>) src(%dma_wait3A_45 : memref<80xi32, #tpu.memory_space<hbm>>) dst(%arg12 : memref<80xi32, #tpu.memory_space<vmem>>)
    %dma_start3A_46 = arith.constant 0 : i32
    %dma_start3A_47 = arith.constant 0 : i32
    %dma_start3A_48 = tpu.memref_slice %arg2[%dma_start3A_46, %dma_start3A_47] : memref<10000x128xf32, #tpu.memory_space<hbm>> -> memref<10000x128xf32, #tpu.memory_space<hbm>>
    tpu.enqueue_indirect_dma source(%dma_start3A_48 : memref<10000x128xf32, #tpu.memory_space<hbm>>) target(%arg16 : memref<80x128xf32, #tpu.memory_space<vmem>>) offsets(%arg8 : memref<80xi32, #tpu.memory_space<vmem>>) semaphore(%arg25 : memref<!tpu.dma_semaphore, #tpu.memory_space<semaphore_mem>>)
    %lt3A_49 = arith.constant 15 : i32
    %lt3A_50 = arith.cmpi slt, %arg1, %lt3A_49 : i32
    %convert_element_type3A_51 = arith.extui %lt3A_50 : i1 to i32
    %cond3A_52 = arith.constant 0 : i32
    %cond3A_53 = arith.cmpi ne, %convert_element_type3A_51, %cond3A_52 : i32
    scf.if %cond3A_53 {
      %mul3A_106 = arith.constant 632 : i32
      %mul3A_107 = arith.muli %arg1, %mul3A_106 : i32
      %dma_wait3A_108 = arith.constant 0 : i32
      %dma_wait3A_109 = tpu.memref_slice %arg19[%mul3A_107, %dma_wait3A_108] : memref<10000x128xf32, #tpu.memory_space<vmem_shared>> -> memref<632x128xf32, #tpu.memory_space<vmem_shared>>
      tpu.wait_dma2 semaphore(%arg32 : memref<!tpu.dma_semaphore, #tpu.memory_space<semaphore_mem>>) src(%arg5 : memref<632x128xf32, #tpu.memory_space<hbm>>) dst(%dma_wait3A_109 : memref<632x128xf32, #tpu.memory_space<vmem_shared>>)
    } else {
    }
    %eq3A_54 = arith.constant 15 : i32
    %eq3A_55 = arith.cmpi eq, %arg1, %eq3A_54 : i32
    %convert_element_type3A_56 = arith.extui %eq3A_55 : i1 to i32
    %cond3A_57 = arith.constant 0 : i32
    %cond3A_58 = arith.cmpi ne, %convert_element_type3A_56, %cond3A_57 : i32
    scf.if %cond3A_58 {
      %dma_wait3A_106 = arith.constant 9480 : i32
      %dma_wait3A_107 = arith.constant 0 : i32
      %dma_wait3A_108 = tpu.memref_slice %arg19[%dma_wait3A_106, %dma_wait3A_107] : memref<10000x128xf32, #tpu.memory_space<vmem_shared>> -> memref<520x128xf32, #tpu.memory_space<vmem_shared>>
      %dma_wait3A_109 = arith.constant 0 : i32
      %dma_wait3A_110 = arith.constant 0 : i32
      %dma_wait3A_111 = tpu.memref_slice %arg5[%dma_wait3A_109, %dma_wait3A_110] : memref<632x128xf32, #tpu.memory_space<hbm>> -> memref<520x128xf32, #tpu.memory_space<hbm>>
      tpu.wait_dma2 semaphore(%arg32 : memref<!tpu.dma_semaphore, #tpu.memory_space<semaphore_mem>>) src(%dma_wait3A_111 : memref<520x128xf32, #tpu.memory_space<hbm>>) dst(%dma_wait3A_108 : memref<520x128xf32, #tpu.memory_space<vmem_shared>>)
    } else {
    }
    %barrier3A = arith.constant 0 : index
    tpu.barrier barrier_id(%barrier3A)
    %add3A_59 = arith.constant 240 : i32
    %add3A_60 = arith.addi %mul3A_4, %add3A_59 : i32
    %dma_start3A_61 = tpu.memref_slice %arg3[%add3A_60] : memref<320000xi32, #tpu.memory_space<hbm>> -> memref<80xi32, #tpu.memory_space<hbm>>
    %dma_start3A_62 = tpu.memref_slice %arg3[%add3A_60] : memref<320000xi32, #tpu.memory_space<hbm>> -> memref<80xi32, #tpu.memory_space<hbm>>
    tpu.enqueue_dma source(%dma_start3A_62 : memref<80xi32, #tpu.memory_space<hbm>>) target(%arg10 : memref<80xi32, #tpu.memory_space<vmem>>) target_semaphore(%arg23 : memref<!tpu.dma_semaphore, #tpu.memory_space<semaphore_mem>>)
    %dma_start3A_63 = tpu.memref_slice %arg4[%add3A_60] : memref<320000xi32, #tpu.memory_space<hbm>> -> memref<80xi32, #tpu.memory_space<hbm>>
    %dma_start3A_64 = tpu.memref_slice %arg4[%add3A_60] : memref<320000xi32, #tpu.memory_space<hbm>> -> memref<80xi32, #tpu.memory_space<hbm>>
    tpu.enqueue_dma source(%dma_start3A_64 : memref<80xi32, #tpu.memory_space<hbm>>) target(%arg14 : memref<80xi32, #tpu.memory_space<vmem>>) target_semaphore(%arg23 : memref<!tpu.dma_semaphore, #tpu.memory_space<semaphore_mem>>)
    %dma_wait3A_65 = arith.constant 0 : i32
    %dma_wait3A_66 = tpu.memref_slice %arg3[%dma_wait3A_65] : memref<320000xi32, #tpu.memory_space<hbm>> -> memref<80xi32, #tpu.memory_space<hbm>>
    %dma_wait3A_67 = arith.constant 0 : i32
    %dma_wait3A_68 = tpu.memref_slice %arg3[%dma_wait3A_67] : memref<320000xi32, #tpu.memory_space<hbm>> -> memref<80xi32, #tpu.memory_space<hbm>>
    tpu.wait_dma2 semaphore(%arg22 : memref<!tpu.dma_semaphore, #tpu.memory_space<semaphore_mem>>) src(%dma_wait3A_68 : memref<80xi32, #tpu.memory_space<hbm>>) dst(%arg9 : memref<80xi32, #tpu.memory_space<vmem>>)
    %dma_wait3A_69 = arith.constant 0 : i32
    %dma_wait3A_70 = tpu.memref_slice %arg4[%dma_wait3A_69] : memref<320000xi32, #tpu.memory_space<hbm>> -> memref<80xi32, #tpu.memory_space<hbm>>
    %dma_wait3A_71 = arith.constant 0 : i32
    %dma_wait3A_72 = tpu.memref_slice %arg4[%dma_wait3A_71] : memref<320000xi32, #tpu.memory_space<hbm>> -> memref<80xi32, #tpu.memory_space<hbm>>
    tpu.wait_dma2 semaphore(%arg22 : memref<!tpu.dma_semaphore, #tpu.memory_space<semaphore_mem>>) src(%dma_wait3A_72 : memref<80xi32, #tpu.memory_space<hbm>>) dst(%arg13 : memref<80xi32, #tpu.memory_space<vmem>>)
    %dma_start3A_73 = arith.constant 0 : i32
    %dma_start3A_74 = arith.constant 0 : i32
    %dma_start3A_75 = tpu.memref_slice %arg2[%dma_start3A_73, %dma_start3A_74] : memref<10000x128xf32, #tpu.memory_space<hbm>> -> memref<10000x128xf32, #tpu.memory_space<hbm>>
    tpu.enqueue_indirect_dma source(%dma_start3A_75 : memref<10000x128xf32, #tpu.memory_space<hbm>>) target(%arg17 : memref<80x128xf32, #tpu.memory_space<vmem>>) offsets(%arg9 : memref<80xi32, #tpu.memory_space<vmem>>) semaphore(%arg26 : memref<!tpu.dma_semaphore, #tpu.memory_space<semaphore_mem>>)
    %dma_wait3A_76 = arith.constant 0 : i32
    %dma_wait3A_77 = arith.constant 0 : i32
    %dma_wait3A_78 = tpu.memref_slice %arg2[%dma_wait3A_76, %dma_wait3A_77] : memref<10000x128xf32, #tpu.memory_space<hbm>> -> memref<80x128xf32, #tpu.memory_space<hbm>>
    %dma_wait3A_79 = arith.constant 0 : i32
    %dma_wait3A_80 = arith.constant 0 : i32
    %dma_wait3A_81 = tpu.memref_slice %arg2[%dma_wait3A_79, %dma_wait3A_80] : memref<10000x128xf32, #tpu.memory_space<hbm>> -> memref<80x128xf32, #tpu.memory_space<hbm>>
    tpu.wait_dma2 semaphore(%arg24 : memref<!tpu.dma_semaphore, #tpu.memory_space<semaphore_mem>>) src(%dma_wait3A_81 : memref<80x128xf32, #tpu.memory_space<hbm>>) dst(%arg15 : memref<80x128xf32, #tpu.memory_space<vmem>>)
    %dma_start3A_82 = arith.constant 0 : i32
    %dma_start3A_83 = arith.constant 0 : i32
    %dma_start3A_84 = tpu.memref_slice %arg19[%dma_start3A_82, %dma_start3A_83] : memref<10000x128xf32, #tpu.memory_space<vmem_shared>> -> memref<10000x128xf32, #tpu.memory_space<vmem_shared>>
    tpu.enqueue_indirect_dma source(%arg15 : memref<80x128xf32, #tpu.memory_space<vmem>>) target(%dma_start3A_84 : memref<10000x128xf32, #tpu.memory_space<vmem_shared>>) offsets(%arg11 : memref<80xi32, #tpu.memory_space<vmem>>) semaphore(%arg28 : memref<!tpu.dma_semaphore, #tpu.memory_space<semaphore_mem>>) {add = true}
    %scan3A = arith.constant 0 : i32
    %scan3A_85 = arith.constant 31 : i32
    %scan3A_86 = arith.addi %scan3A, %scan3A_85 : i32
    %scan3A_87 = arith.constant 1 : i32
    scf.for %scan3A_106 = %scan3A to %scan3A_86 step %scan3A_87  : i32 {
      %mul3A_107 = arith.constant 1 : i32
      %mul3A_108 = arith.muli %scan3A_106, %mul3A_107 : i32
      %add3A_109 = arith.constant 0 : i32
      %add3A_110 = arith.addi %add3A_109, %mul3A_108 : i32
      %mul3A_111 = arith.constant 4 : i32
      %mul3A_112 = arith.muli %mul3A_111, %add3A_110 : i32
      %add3A_113 = arith.constant 1 : i32
      %add3A_114 = arith.addi %mul3A_112, %add3A_113 : i32
      %add3A_115 = arith.constant 0 : i32
      %add3A_116 = arith.addi %add3A_114, %add3A_115 : i32
      %dma_wait3A_117 = arith.constant 0 : i32
      %dma_wait3A_118 = arith.constant 0 : i32
      %dma_wait3A_119 = tpu.memref_slice %arg19[%dma_wait3A_117, %dma_wait3A_118] : memref<10000x128xf32, #tpu.memory_space<vmem_shared>> -> memref<80x128xf32, #tpu.memory_space<vmem_shared>>
      %dma_wait3A_120 = arith.constant 0 : i32
      %dma_wait3A_121 = arith.constant 0 : i32
      %dma_wait3A_122 = tpu.memref_slice %arg19[%dma_wait3A_120, %dma_wait3A_121] : memref<10000x128xf32, #tpu.memory_space<vmem_shared>> -> memref<80x128xf32, #tpu.memory_space<vmem_shared>>
      tpu.wait_dma2 semaphore(%arg28 : memref<!tpu.dma_semaphore, #tpu.memory_space<semaphore_mem>>) src(%arg15 : memref<80x128xf32, #tpu.memory_space<vmem>>) dst(%dma_wait3A_122 : memref<80x128xf32, #tpu.memory_space<vmem_shared>>)
      %add3A_123 = arith.constant 3 : i32
      %add3A_124 = arith.addi %add3A_116, %add3A_123 : i32
      %lt3A_125 = arith.constant 125 : i32
      %lt3A_126 = arith.cmpi slt, %add3A_124, %lt3A_125 : i32
      %convert_element_type3A_127 = arith.extui %lt3A_126 : i1 to i32
      %cond3A_128 = arith.constant 0 : i32
      %cond3A_129 = arith.cmpi ne, %convert_element_type3A_127, %cond3A_128 : i32
      scf.if %cond3A_129 {
        %add3A_251 = arith.constant 3 : i32
        %add3A_252 = arith.addi %add3A_116, %add3A_251 : i32
        %mul3A_253 = arith.constant 80 : i32
        %mul3A_254 = arith.muli %add3A_252, %mul3A_253 : i32
        %add3A_255 = arith.addi %mul3A_4, %mul3A_254 : i32
        %dma_start3A_256 = tpu.memref_slice %arg3[%add3A_255] : memref<320000xi32, #tpu.memory_space<hbm>> -> memref<80xi32, #tpu.memory_space<hbm>>
        %dma_start3A_257 = tpu.memref_slice %arg3[%add3A_255] : memref<320000xi32, #tpu.memory_space<hbm>> -> memref<80xi32, #tpu.memory_space<hbm>>
        tpu.enqueue_dma source(%dma_start3A_257 : memref<80xi32, #tpu.memory_space<hbm>>) target(%arg7 : memref<80xi32, #tpu.memory_space<vmem>>) target_semaphore(%arg20 : memref<!tpu.dma_semaphore, #tpu.memory_space<semaphore_mem>>)
        %dma_start3A_258 = tpu.memref_slice %arg4[%add3A_255] : memref<320000xi32, #tpu.memory_space<hbm>> -> memref<80xi32, #tpu.memory_space<hbm>>
        %dma_start3A_259 = tpu.memref_slice %arg4[%add3A_255] : memref<320000xi32, #tpu.memory_space<hbm>> -> memref<80xi32, #tpu.memory_space<hbm>>
        tpu.enqueue_dma source(%dma_start3A_259 : memref<80xi32, #tpu.memory_space<hbm>>) target(%arg11 : memref<80xi32, #tpu.memory_space<vmem>>) target_semaphore(%arg20 : memref<!tpu.dma_semaphore, #tpu.memory_space<semaphore_mem>>)
      } else {
      }
      %add3A_130 = arith.constant 2 : i32
      %add3A_131 = arith.addi %add3A_116, %add3A_130 : i32
      %lt3A_132 = arith.constant 125 : i32
      %lt3A_133 = arith.cmpi slt, %add3A_131, %lt3A_132 : i32
      %convert_element_type3A_134 = arith.extui %lt3A_133 : i1 to i32
      %cond3A_135 = arith.constant 0 : i32
      %cond3A_136 = arith.cmpi ne, %convert_element_type3A_134, %cond3A_135 : i32
      scf.if %cond3A_136 {
        %dma_wait3A_251 = arith.constant 0 : i32
        %dma_wait3A_252 = tpu.memref_slice %arg3[%dma_wait3A_251] : memref<320000xi32, #tpu.memory_space<hbm>> -> memref<80xi32, #tpu.memory_space<hbm>>
        %dma_wait3A_253 = arith.constant 0 : i32
        %dma_wait3A_254 = tpu.memref_slice %arg3[%dma_wait3A_253] : memref<320000xi32, #tpu.memory_space<hbm>> -> memref<80xi32, #tpu.memory_space<hbm>>
        tpu.wait_dma2 semaphore(%arg23 : memref<!tpu.dma_semaphore, #tpu.memory_space<semaphore_mem>>) src(%dma_wait3A_254 : memref<80xi32, #tpu.memory_space<hbm>>) dst(%arg10 : memref<80xi32, #tpu.memory_space<vmem>>)
        %dma_wait3A_255 = arith.constant 0 : i32
        %dma_wait3A_256 = tpu.memref_slice %arg4[%dma_wait3A_255] : memref<320000xi32, #tpu.memory_space<hbm>> -> memref<80xi32, #tpu.memory_space<hbm>>
        %dma_wait3A_257 = arith.constant 0 : i32
        %dma_wait3A_258 = tpu.memref_slice %arg4[%dma_wait3A_257] : memref<320000xi32, #tpu.memory_space<hbm>> -> memref<80xi32, #tpu.memory_space<hbm>>
        tpu.wait_dma2 semaphore(%arg23 : memref<!tpu.dma_semaphore, #tpu.memory_space<semaphore_mem>>) src(%dma_wait3A_258 : memref<80xi32, #tpu.memory_space<hbm>>) dst(%arg14 : memref<80xi32, #tpu.memory_space<vmem>>)
        %dma_start3A_259 = arith.constant 0 : i32
        %dma_start3A_260 = arith.constant 0 : i32
        %dma_start3A_261 = tpu.memref_slice %arg2[%dma_start3A_259, %dma_start3A_260] : memref<10000x128xf32, #tpu.memory_space<hbm>> -> memref<10000x128xf32, #tpu.memory_space<hbm>>
        tpu.enqueue_indirect_dma source(%dma_start3A_261 : memref<10000x128xf32, #tpu.memory_space<hbm>>) target(%arg18 : memref<80x128xf32, #tpu.memory_space<vmem>>) offsets(%arg10 : memref<80xi32, #tpu.memory_space<vmem>>) semaphore(%arg27 : memref<!tpu.dma_semaphore, #tpu.memory_space<semaphore_mem>>)
      } else {
      }
      %dma_wait3A_137 = arith.constant 0 : i32
      %dma_wait3A_138 = arith.constant 0 : i32
      %dma_wait3A_139 = tpu.memref_slice %arg2[%dma_wait3A_137, %dma_wait3A_138] : memref<10000x128xf32, #tpu.memory_space<hbm>> -> memref<80x128xf32, #tpu.memory_space<hbm>>
      %dma_wait3A_140 = arith.constant 0 : i32
      %dma_wait3A_141 = arith.constant 0 : i32
      %dma_wait3A_142 = tpu.memref_slice %arg2[%dma_wait3A_140, %dma_wait3A_141] : memref<10000x128xf32, #tpu.memory_space<hbm>> -> memref<80x128xf32, #tpu.memory_space<hbm>>
      tpu.wait_dma2 semaphore(%arg25 : memref<!tpu.dma_semaphore, #tpu.memory_space<semaphore_mem>>) src(%dma_wait3A_142 : memref<80x128xf32, #tpu.memory_space<hbm>>) dst(%arg16 : memref<80x128xf32, #tpu.memory_space<vmem>>)
      %dma_start3A_143 = arith.constant 0 : i32
      %dma_start3A_144 = arith.constant 0 : i32
      %dma_start3A_145 = tpu.memref_slice %arg19[%dma_start3A_143, %dma_start3A_144] : memref<10000x128xf32, #tpu.memory_space<vmem_shared>> -> memref<10000x128xf32, #tpu.memory_space<vmem_shared>>
      tpu.enqueue_indirect_dma source(%arg16 : memref<80x128xf32, #tpu.memory_space<vmem>>) target(%dma_start3A_145 : memref<10000x128xf32, #tpu.memory_space<vmem_shared>>) offsets(%arg12 : memref<80xi32, #tpu.memory_space<vmem>>) semaphore(%arg29 : memref<!tpu.dma_semaphore, #tpu.memory_space<semaphore_mem>>) {add = true}
      %mul3A_146 = arith.constant 4 : i32
      %mul3A_147 = arith.muli %mul3A_146, %add3A_110 : i32
      %add3A_148 = arith.constant 1 : i32
      %add3A_149 = arith.addi %mul3A_147, %add3A_148 : i32
      %add3A_150 = arith.constant 1 : i32
      %add3A_151 = arith.addi %add3A_149, %add3A_150 : i32
      %dma_wait3A_152 = arith.constant 0 : i32
      %dma_wait3A_153 = arith.constant 0 : i32
      %dma_wait3A_154 = tpu.memref_slice %arg19[%dma_wait3A_152, %dma_wait3A_153] : memref<10000x128xf32, #tpu.memory_space<vmem_shared>> -> memref<80x128xf32, #tpu.memory_space<vmem_shared>>
      %dma_wait3A_155 = arith.constant 0 : i32
      %dma_wait3A_156 = arith.constant 0 : i32
      %dma_wait3A_157 = tpu.memref_slice %arg19[%dma_wait3A_155, %dma_wait3A_156] : memref<10000x128xf32, #tpu.memory_space<vmem_shared>> -> memref<80x128xf32, #tpu.memory_space<vmem_shared>>
      tpu.wait_dma2 semaphore(%arg29 : memref<!tpu.dma_semaphore, #tpu.memory_space<semaphore_mem>>) src(%arg16 : memref<80x128xf32, #tpu.memory_space<vmem>>) dst(%dma_wait3A_157 : memref<80x128xf32, #tpu.memory_space<vmem_shared>>)
      %add3A_158 = arith.constant 3 : i32
      %add3A_159 = arith.addi %add3A_151, %add3A_158 : i32
      %lt3A_160 = arith.constant 125 : i32
      %lt3A_161 = arith.cmpi slt, %add3A_159, %lt3A_160 : i32
      %convert_element_type3A_162 = arith.extui %lt3A_161 : i1 to i32
      %cond3A_163 = arith.constant 0 : i32
      %cond3A_164 = arith.cmpi ne, %convert_element_type3A_162, %cond3A_163 : i32
      scf.if %cond3A_164 {
        %add3A_251 = arith.constant 3 : i32
        %add3A_252 = arith.addi %add3A_151, %add3A_251 : i32
        %mul3A_253 = arith.constant 80 : i32
        %mul3A_254 = arith.muli %add3A_252, %mul3A_253 : i32
        %add3A_255 = arith.addi %mul3A_4, %mul3A_254 : i32
        %dma_start3A_256 = tpu.memref_slice %arg3[%add3A_255] : memref<320000xi32, #tpu.memory_space<hbm>> -> memref<80xi32, #tpu.memory_space<hbm>>
        %dma_start3A_257 = tpu.memref_slice %arg3[%add3A_255] : memref<320000xi32, #tpu.memory_space<hbm>> -> memref<80xi32, #tpu.memory_space<hbm>>
        tpu.enqueue_dma source(%dma_start3A_257 : memref<80xi32, #tpu.memory_space<hbm>>) target(%arg8 : memref<80xi32, #tpu.memory_space<vmem>>) target_semaphore(%arg21 : memref<!tpu.dma_semaphore, #tpu.memory_space<semaphore_mem>>)
        %dma_start3A_258 = tpu.memref_slice %arg4[%add3A_255] : memref<320000xi32, #tpu.memory_space<hbm>> -> memref<80xi32, #tpu.memory_space<hbm>>
        %dma_start3A_259 = tpu.memref_slice %arg4[%add3A_255] : memref<320000xi32, #tpu.memory_space<hbm>> -> memref<80xi32, #tpu.memory_space<hbm>>
        tpu.enqueue_dma source(%dma_start3A_259 : memref<80xi32, #tpu.memory_space<hbm>>) target(%arg12 : memref<80xi32, #tpu.memory_space<vmem>>) target_semaphore(%arg21 : memref<!tpu.dma_semaphore, #tpu.memory_space<semaphore_mem>>)
      } else {
      }
      %add3A_165 = arith.constant 2 : i32
      %add3A_166 = arith.addi %add3A_151, %add3A_165 : i32
      %lt3A_167 = arith.constant 125 : i32
      %lt3A_168 = arith.cmpi slt, %add3A_166, %lt3A_167 : i32
      %convert_element_type3A_169 = arith.extui %lt3A_168 : i1 to i32
      %cond3A_170 = arith.constant 0 : i32
      %cond3A_171 = arith.cmpi ne, %convert_element_type3A_169, %cond3A_170 : i32
      scf.if %cond3A_171 {
        %dma_wait3A_251 = arith.constant 0 : i32
        %dma_wait3A_252 = tpu.memref_slice %arg3[%dma_wait3A_251] : memref<320000xi32, #tpu.memory_space<hbm>> -> memref<80xi32, #tpu.memory_space<hbm>>
        %dma_wait3A_253 = arith.constant 0 : i32
        %dma_wait3A_254 = tpu.memref_slice %arg3[%dma_wait3A_253] : memref<320000xi32, #tpu.memory_space<hbm>> -> memref<80xi32, #tpu.memory_space<hbm>>
        tpu.wait_dma2 semaphore(%arg20 : memref<!tpu.dma_semaphore, #tpu.memory_space<semaphore_mem>>) src(%dma_wait3A_254 : memref<80xi32, #tpu.memory_space<hbm>>) dst(%arg7 : memref<80xi32, #tpu.memory_space<vmem>>)
        %dma_wait3A_255 = arith.constant 0 : i32
        %dma_wait3A_256 = tpu.memref_slice %arg4[%dma_wait3A_255] : memref<320000xi32, #tpu.memory_space<hbm>> -> memref<80xi32, #tpu.memory_space<hbm>>
        %dma_wait3A_257 = arith.constant 0 : i32
        %dma_wait3A_258 = tpu.memref_slice %arg4[%dma_wait3A_257] : memref<320000xi32, #tpu.memory_space<hbm>> -> memref<80xi32, #tpu.memory_space<hbm>>
        tpu.wait_dma2 semaphore(%arg20 : memref<!tpu.dma_semaphore, #tpu.memory_space<semaphore_mem>>) src(%dma_wait3A_258 : memref<80xi32, #tpu.memory_space<hbm>>) dst(%arg11 : memref<80xi32, #tpu.memory_space<vmem>>)
        %dma_start3A_259 = arith.constant 0 : i32
        %dma_start3A_260 = arith.constant 0 : i32
        %dma_start3A_261 = tpu.memref_slice %arg2[%dma_start3A_259, %dma_start3A_260] : memref<10000x128xf32, #tpu.memory_space<hbm>> -> memref<10000x128xf32, #tpu.memory_space<hbm>>
        tpu.enqueue_indirect_dma source(%dma_start3A_261 : memref<10000x128xf32, #tpu.memory_space<hbm>>) target(%arg15 : memref<80x128xf32, #tpu.memory_space<vmem>>) offsets(%arg7 : memref<80xi32, #tpu.memory_space<vmem>>) semaphore(%arg24 : memref<!tpu.dma_semaphore, #tpu.memory_space<semaphore_mem>>)
      } else {
      }
      %dma_wait3A_172 = arith.constant 0 : i32
      %dma_wait3A_173 = arith.constant 0 : i32
      %dma_wait3A_174 = tpu.memref_slice %arg2[%dma_wait3A_172, %dma_wait3A_173] : memref<10000x128xf32, #tpu.memory_space<hbm>> -> memref<80x128xf32, #tpu.memory_space<hbm>>
      %dma_wait3A_175 = arith.constant 0 : i32
      %dma_wait3A_176 = arith.constant 0 : i32
      %dma_wait3A_177 = tpu.memref_slice %arg2[%dma_wait3A_175, %dma_wait3A_176] : memref<10000x128xf32, #tpu.memory_space<hbm>> -> memref<80x128xf32, #tpu.memory_space<hbm>>
      tpu.wait_dma2 semaphore(%arg26 : memref<!tpu.dma_semaphore, #tpu.memory_space<semaphore_mem>>) src(%dma_wait3A_177 : memref<80x128xf32, #tpu.memory_space<hbm>>) dst(%arg17 : memref<80x128xf32, #tpu.memory_space<vmem>>)
      %dma_start3A_178 = arith.constant 0 : i32
      %dma_start3A_179 = arith.constant 0 : i32
      %dma_start3A_180 = tpu.memref_slice %arg19[%dma_start3A_178, %dma_start3A_179] : memref<10000x128xf32, #tpu.memory_space<vmem_shared>> -> memref<10000x128xf32, #tpu.memory_space<vmem_shared>>
      tpu.enqueue_indirect_dma source(%arg17 : memref<80x128xf32, #tpu.memory_space<vmem>>) target(%dma_start3A_180 : memref<10000x128xf32, #tpu.memory_space<vmem_shared>>) offsets(%arg13 : memref<80xi32, #tpu.memory_space<vmem>>) semaphore(%arg30 : memref<!tpu.dma_semaphore, #tpu.memory_space<semaphore_mem>>) {add = true}
      %mul3A_181 = arith.constant 4 : i32
      %mul3A_182 = arith.muli %mul3A_181, %add3A_110 : i32
      %add3A_183 = arith.constant 1 : i32
      %add3A_184 = arith.addi %mul3A_182, %add3A_183 : i32
      %add3A_185 = arith.constant 2 : i32
      %add3A_186 = arith.addi %add3A_184, %add3A_185 : i32
      %dma_wait3A_187 = arith.constant 0 : i32
      %dma_wait3A_188 = arith.constant 0 : i32
      %dma_wait3A_189 = tpu.memref_slice %arg19[%dma_wait3A_187, %dma_wait3A_188] : memref<10000x128xf32, #tpu.memory_space<vmem_shared>> -> memref<80x128xf32, #tpu.memory_space<vmem_shared>>
      %dma_wait3A_190 = arith.constant 0 : i32
      %dma_wait3A_191 = arith.constant 0 : i32
      %dma_wait3A_192 = tpu.memref_slice %arg19[%dma_wait3A_190, %dma_wait3A_191] : memref<10000x128xf32, #tpu.memory_space<vmem_shared>> -> memref<80x128xf32, #tpu.memory_space<vmem_shared>>
      tpu.wait_dma2 semaphore(%arg30 : memref<!tpu.dma_semaphore, #tpu.memory_space<semaphore_mem>>) src(%arg17 : memref<80x128xf32, #tpu.memory_space<vmem>>) dst(%dma_wait3A_192 : memref<80x128xf32, #tpu.memory_space<vmem_shared>>)
      %add3A_193 = arith.constant 3 : i32
      %add3A_194 = arith.addi %add3A_186, %add3A_193 : i32
      %lt3A_195 = arith.constant 125 : i32
      %lt3A_196 = arith.cmpi slt, %add3A_194, %lt3A_195 : i32
      %convert_element_type3A_197 = arith.extui %lt3A_196 : i1 to i32
      %cond3A_198 = arith.constant 0 : i32
      %cond3A_199 = arith.cmpi ne, %convert_element_type3A_197, %cond3A_198 : i32
      scf.if %cond3A_199 {
        %add3A_251 = arith.constant 3 : i32
        %add3A_252 = arith.addi %add3A_186, %add3A_251 : i32
        %mul3A_253 = arith.constant 80 : i32
        %mul3A_254 = arith.muli %add3A_252, %mul3A_253 : i32
        %add3A_255 = arith.addi %mul3A_4, %mul3A_254 : i32
        %dma_start3A_256 = tpu.memref_slice %arg3[%add3A_255] : memref<320000xi32, #tpu.memory_space<hbm>> -> memref<80xi32, #tpu.memory_space<hbm>>
        %dma_start3A_257 = tpu.memref_slice %arg3[%add3A_255] : memref<320000xi32, #tpu.memory_space<hbm>> -> memref<80xi32, #tpu.memory_space<hbm>>
        tpu.enqueue_dma source(%dma_start3A_257 : memref<80xi32, #tpu.memory_space<hbm>>) target(%arg9 : memref<80xi32, #tpu.memory_space<vmem>>) target_semaphore(%arg22 : memref<!tpu.dma_semaphore, #tpu.memory_space<semaphore_mem>>)
        %dma_start3A_258 = tpu.memref_slice %arg4[%add3A_255] : memref<320000xi32, #tpu.memory_space<hbm>> -> memref<80xi32, #tpu.memory_space<hbm>>
        %dma_start3A_259 = tpu.memref_slice %arg4[%add3A_255] : memref<320000xi32, #tpu.memory_space<hbm>> -> memref<80xi32, #tpu.memory_space<hbm>>
        tpu.enqueue_dma source(%dma_start3A_259 : memref<80xi32, #tpu.memory_space<hbm>>) target(%arg13 : memref<80xi32, #tpu.memory_space<vmem>>) target_semaphore(%arg22 : memref<!tpu.dma_semaphore, #tpu.memory_space<semaphore_mem>>)
      } else {
      }
      %add3A_200 = arith.constant 2 : i32
      %add3A_201 = arith.addi %add3A_186, %add3A_200 : i32
      %lt3A_202 = arith.constant 125 : i32
      %lt3A_203 = arith.cmpi slt, %add3A_201, %lt3A_202 : i32
      %convert_element_type3A_204 = arith.extui %lt3A_203 : i1 to i32
      %cond3A_205 = arith.constant 0 : i32
      %cond3A_206 = arith.cmpi ne, %convert_element_type3A_204, %cond3A_205 : i32
      scf.if %cond3A_206 {
        %dma_wait3A_251 = arith.constant 0 : i32
        %dma_wait3A_252 = tpu.memref_slice %arg3[%dma_wait3A_251] : memref<320000xi32, #tpu.memory_space<hbm>> -> memref<80xi32, #tpu.memory_space<hbm>>
        %dma_wait3A_253 = arith.constant 0 : i32
        %dma_wait3A_254 = tpu.memref_slice %arg3[%dma_wait3A_253] : memref<320000xi32, #tpu.memory_space<hbm>> -> memref<80xi32, #tpu.memory_space<hbm>>
        tpu.wait_dma2 semaphore(%arg21 : memref<!tpu.dma_semaphore, #tpu.memory_space<semaphore_mem>>) src(%dma_wait3A_254 : memref<80xi32, #tpu.memory_space<hbm>>) dst(%arg8 : memref<80xi32, #tpu.memory_space<vmem>>)
        %dma_wait3A_255 = arith.constant 0 : i32
        %dma_wait3A_256 = tpu.memref_slice %arg4[%dma_wait3A_255] : memref<320000xi32, #tpu.memory_space<hbm>> -> memref<80xi32, #tpu.memory_space<hbm>>
        %dma_wait3A_257 = arith.constant 0 : i32
        %dma_wait3A_258 = tpu.memref_slice %arg4[%dma_wait3A_257] : memref<320000xi32, #tpu.memory_space<hbm>> -> memref<80xi32, #tpu.memory_space<hbm>>
        tpu.wait_dma2 semaphore(%arg21 : memref<!tpu.dma_semaphore, #tpu.memory_space<semaphore_mem>>) src(%dma_wait3A_258 : memref<80xi32, #tpu.memory_space<hbm>>) dst(%arg12 : memref<80xi32, #tpu.memory_space<vmem>>)
        %dma_start3A_259 = arith.constant 0 : i32
        %dma_start3A_260 = arith.constant 0 : i32
        %dma_start3A_261 = tpu.memref_slice %arg2[%dma_start3A_259, %dma_start3A_260] : memref<10000x128xf32, #tpu.memory_space<hbm>> -> memref<10000x128xf32, #tpu.memory_space<hbm>>
        tpu.enqueue_indirect_dma source(%dma_start3A_261 : memref<10000x128xf32, #tpu.memory_space<hbm>>) target(%arg16 : memref<80x128xf32, #tpu.memory_space<vmem>>) offsets(%arg8 : memref<80xi32, #tpu.memory_space<vmem>>) semaphore(%arg25 : memref<!tpu.dma_semaphore, #tpu.memory_space<semaphore_mem>>)
      } else {
      }
      %dma_wait3A_207 = arith.constant 0 : i32
      %dma_wait3A_208 = arith.constant 0 : i32
      %dma_wait3A_209 = tpu.memref_slice %arg2[%dma_wait3A_207, %dma_wait3A_208] : memref<10000x128xf32, #tpu.memory_space<hbm>> -> memref<80x128xf32, #tpu.memory_space<hbm>>
      %dma_wait3A_210 = arith.constant 0 : i32
      %dma_wait3A_211 = arith.constant 0 : i32
      %dma_wait3A_212 = tpu.memref_slice %arg2[%dma_wait3A_210, %dma_wait3A_211] : memref<10000x128xf32, #tpu.memory_space<hbm>> -> memref<80x128xf32, #tpu.memory_space<hbm>>
      tpu.wait_dma2 semaphore(%arg27 : memref<!tpu.dma_semaphore, #tpu.memory_space<semaphore_mem>>) src(%dma_wait3A_212 : memref<80x128xf32, #tpu.memory_space<hbm>>) dst(%arg18 : memref<80x128xf32, #tpu.memory_space<vmem>>)
      %dma_start3A_213 = arith.constant 0 : i32
      %dma_start3A_214 = arith.constant 0 : i32
      %dma_start3A_215 = tpu.memref_slice %arg19[%dma_start3A_213, %dma_start3A_214] : memref<10000x128xf32, #tpu.memory_space<vmem_shared>> -> memref<10000x128xf32, #tpu.memory_space<vmem_shared>>
      tpu.enqueue_indirect_dma source(%arg18 : memref<80x128xf32, #tpu.memory_space<vmem>>) target(%dma_start3A_215 : memref<10000x128xf32, #tpu.memory_space<vmem_shared>>) offsets(%arg14 : memref<80xi32, #tpu.memory_space<vmem>>) semaphore(%arg31 : memref<!tpu.dma_semaphore, #tpu.memory_space<semaphore_mem>>) {add = true}
      %mul3A_216 = arith.constant 4 : i32
      %mul3A_217 = arith.muli %mul3A_216, %add3A_110 : i32
      %add3A_218 = arith.constant 1 : i32
      %add3A_219 = arith.addi %mul3A_217, %add3A_218 : i32
      %add3A_220 = arith.constant 3 : i32
      %add3A_221 = arith.addi %add3A_219, %add3A_220 : i32
      %dma_wait3A_222 = arith.constant 0 : i32
      %dma_wait3A_223 = arith.constant 0 : i32
      %dma_wait3A_224 = tpu.memref_slice %arg19[%dma_wait3A_222, %dma_wait3A_223] : memref<10000x128xf32, #tpu.memory_space<vmem_shared>> -> memref<80x128xf32, #tpu.memory_space<vmem_shared>>
      %dma_wait3A_225 = arith.constant 0 : i32
      %dma_wait3A_226 = arith.constant 0 : i32
      %dma_wait3A_227 = tpu.memref_slice %arg19[%dma_wait3A_225, %dma_wait3A_226] : memref<10000x128xf32, #tpu.memory_space<vmem_shared>> -> memref<80x128xf32, #tpu.memory_space<vmem_shared>>
      tpu.wait_dma2 semaphore(%arg31 : memref<!tpu.dma_semaphore, #tpu.memory_space<semaphore_mem>>) src(%arg18 : memref<80x128xf32, #tpu.memory_space<vmem>>) dst(%dma_wait3A_227 : memref<80x128xf32, #tpu.memory_space<vmem_shared>>)
      %add3A_228 = arith.constant 3 : i32
      %add3A_229 = arith.addi %add3A_221, %add3A_228 : i32
      %lt3A_230 = arith.constant 125 : i32
      %lt3A_231 = arith.cmpi slt, %add3A_229, %lt3A_230 : i32
      %convert_element_type3A_232 = arith.extui %lt3A_231 : i1 to i32
      %cond3A_233 = arith.constant 0 : i32
      %cond3A_234 = arith.cmpi ne, %convert_element_type3A_232, %cond3A_233 : i32
      scf.if %cond3A_234 {
        %add3A_251 = arith.constant 3 : i32
        %add3A_252 = arith.addi %add3A_221, %add3A_251 : i32
        %mul3A_253 = arith.constant 80 : i32
        %mul3A_254 = arith.muli %add3A_252, %mul3A_253 : i32
        %add3A_255 = arith.addi %mul3A_4, %mul3A_254 : i32
        %dma_start3A_256 = tpu.memref_slice %arg3[%add3A_255] : memref<320000xi32, #tpu.memory_space<hbm>> -> memref<80xi32, #tpu.memory_space<hbm>>
        %dma_start3A_257 = tpu.memref_slice %arg3[%add3A_255] : memref<320000xi32, #tpu.memory_space<hbm>> -> memref<80xi32, #tpu.memory_space<hbm>>
        tpu.enqueue_dma source(%dma_start3A_257 : memref<80xi32, #tpu.memory_space<hbm>>) target(%arg10 : memref<80xi32, #tpu.memory_space<vmem>>) target_semaphore(%arg23 : memref<!tpu.dma_semaphore, #tpu.memory_space<semaphore_mem>>)
        %dma_start3A_258 = tpu.memref_slice %arg4[%add3A_255] : memref<320000xi32, #tpu.memory_space<hbm>> -> memref<80xi32, #tpu.memory_space<hbm>>
        %dma_start3A_259 = tpu.memref_slice %arg4[%add3A_255] : memref<320000xi32, #tpu.memory_space<hbm>> -> memref<80xi32, #tpu.memory_space<hbm>>
        tpu.enqueue_dma source(%dma_start3A_259 : memref<80xi32, #tpu.memory_space<hbm>>) target(%arg14 : memref<80xi32, #tpu.memory_space<vmem>>) target_semaphore(%arg23 : memref<!tpu.dma_semaphore, #tpu.memory_space<semaphore_mem>>)
      } else {
      }
      %add3A_235 = arith.constant 2 : i32
      %add3A_236 = arith.addi %add3A_221, %add3A_235 : i32
      %lt3A_237 = arith.constant 125 : i32
      %lt3A_238 = arith.cmpi slt, %add3A_236, %lt3A_237 : i32
      %convert_element_type3A_239 = arith.extui %lt3A_238 : i1 to i32
      %cond3A_240 = arith.constant 0 : i32
      %cond3A_241 = arith.cmpi ne, %convert_element_type3A_239, %cond3A_240 : i32
      scf.if %cond3A_241 {
        %dma_wait3A_251 = arith.constant 0 : i32
        %dma_wait3A_252 = tpu.memref_slice %arg3[%dma_wait3A_251] : memref<320000xi32, #tpu.memory_space<hbm>> -> memref<80xi32, #tpu.memory_space<hbm>>
        %dma_wait3A_253 = arith.constant 0 : i32
        %dma_wait3A_254 = tpu.memref_slice %arg3[%dma_wait3A_253] : memref<320000xi32, #tpu.memory_space<hbm>> -> memref<80xi32, #tpu.memory_space<hbm>>
        tpu.wait_dma2 semaphore(%arg22 : memref<!tpu.dma_semaphore, #tpu.memory_space<semaphore_mem>>) src(%dma_wait3A_254 : memref<80xi32, #tpu.memory_space<hbm>>) dst(%arg9 : memref<80xi32, #tpu.memory_space<vmem>>)
        %dma_wait3A_255 = arith.constant 0 : i32
        %dma_wait3A_256 = tpu.memref_slice %arg4[%dma_wait3A_255] : memref<320000xi32, #tpu.memory_space<hbm>> -> memref<80xi32, #tpu.memory_space<hbm>>
        %dma_wait3A_257 = arith.constant 0 : i32
        %dma_wait3A_258 = tpu.memref_slice %arg4[%dma_wait3A_257] : memref<320000xi32, #tpu.memory_space<hbm>> -> memref<80xi32, #tpu.memory_space<hbm>>
        tpu.wait_dma2 semaphore(%arg22 : memref<!tpu.dma_semaphore, #tpu.memory_space<semaphore_mem>>) src(%dma_wait3A_258 : memref<80xi32, #tpu.memory_space<hbm>>) dst(%arg13 : memref<80xi32, #tpu.memory_space<vmem>>)
        %dma_start3A_259 = arith.constant 0 : i32
        %dma_start3A_260 = arith.constant 0 : i32
        %dma_start3A_261 = tpu.memref_slice %arg2[%dma_start3A_259, %dma_start3A_260] : memref<10000x128xf32, #tpu.memory_space<hbm>> -> memref<10000x128xf32, #tpu.memory_space<hbm>>
        tpu.enqueue_indirect_dma source(%dma_start3A_261 : memref<10000x128xf32, #tpu.memory_space<hbm>>) target(%arg17 : memref<80x128xf32, #tpu.memory_space<vmem>>) offsets(%arg9 : memref<80xi32, #tpu.memory_space<vmem>>) semaphore(%arg26 : memref<!tpu.dma_semaphore, #tpu.memory_space<semaphore_mem>>)
      } else {
      }
      %dma_wait3A_242 = arith.constant 0 : i32
      %dma_wait3A_243 = arith.constant 0 : i32
      %dma_wait3A_244 = tpu.memref_slice %arg2[%dma_wait3A_242, %dma_wait3A_243] : memref<10000x128xf32, #tpu.memory_space<hbm>> -> memref<80x128xf32, #tpu.memory_space<hbm>>
      %dma_wait3A_245 = arith.constant 0 : i32
      %dma_wait3A_246 = arith.constant 0 : i32
      %dma_wait3A_247 = tpu.memref_slice %arg2[%dma_wait3A_245, %dma_wait3A_246] : memref<10000x128xf32, #tpu.memory_space<hbm>> -> memref<80x128xf32, #tpu.memory_space<hbm>>
      tpu.wait_dma2 semaphore(%arg24 : memref<!tpu.dma_semaphore, #tpu.memory_space<semaphore_mem>>) src(%dma_wait3A_247 : memref<80x128xf32, #tpu.memory_space<hbm>>) dst(%arg15 : memref<80x128xf32, #tpu.memory_space<vmem>>)
      %dma_start3A_248 = arith.constant 0 : i32
      %dma_start3A_249 = arith.constant 0 : i32
      %dma_start3A_250 = tpu.memref_slice %arg19[%dma_start3A_248, %dma_start3A_249] : memref<10000x128xf32, #tpu.memory_space<vmem_shared>> -> memref<10000x128xf32, #tpu.memory_space<vmem_shared>>
      tpu.enqueue_indirect_dma source(%arg15 : memref<80x128xf32, #tpu.memory_space<vmem>>) target(%dma_start3A_250 : memref<10000x128xf32, #tpu.memory_space<vmem_shared>>) offsets(%arg11 : memref<80xi32, #tpu.memory_space<vmem>>) semaphore(%arg28 : memref<!tpu.dma_semaphore, #tpu.memory_space<semaphore_mem>>) {add = true}
    }
    %scan3A_88 = arith.constant 31 : i32
    %dma_wait3A_89 = arith.constant 0 : i32
    %dma_wait3A_90 = arith.constant 0 : i32
    %dma_wait3A_91 = tpu.memref_slice %arg19[%dma_wait3A_89, %dma_wait3A_90] : memref<10000x128xf32, #tpu.memory_space<vmem_shared>> -> memref<80x128xf32, #tpu.memory_space<vmem_shared>>
    %dma_wait3A_92 = arith.constant 0 : i32
    %dma_wait3A_93 = arith.constant 0 : i32
    %dma_wait3A_94 = tpu.memref_slice %arg19[%dma_wait3A_92, %dma_wait3A_93] : memref<10000x128xf32, #tpu.memory_space<vmem_shared>> -> memref<80x128xf32, #tpu.memory_space<vmem_shared>>
    tpu.wait_dma2 semaphore(%arg28 : memref<!tpu.dma_semaphore, #tpu.memory_space<semaphore_mem>>) src(%arg15 : memref<80x128xf32, #tpu.memory_space<vmem>>) dst(%dma_wait3A_94 : memref<80x128xf32, #tpu.memory_space<vmem_shared>>)
    %barrier3A_95 = arith.constant 0 : index
    tpu.barrier barrier_id(%barrier3A_95)
    %lt3A_96 = arith.constant 15 : i32
    %lt3A_97 = arith.cmpi slt, %arg1, %lt3A_96 : i32
    %convert_element_type3A_98 = arith.extui %lt3A_97 : i1 to i32
    %cond3A_99 = arith.constant 0 : i32
    %cond3A_100 = arith.cmpi ne, %convert_element_type3A_98, %cond3A_99 : i32
    scf.if %cond3A_100 {
      %mul3A_106 = arith.constant 632 : i32
      %mul3A_107 = arith.muli %arg1, %mul3A_106 : i32
      %mul3A_108 = arith.constant 632 : i32
      %mul3A_109 = arith.muli %arg1, %mul3A_108 : i32
      "tpu.region"() ({
        %run_scoped3A = tpu.sem_alloc : memref<!tpu.dma_semaphore, #tpu.memory_space<semaphore_mem>>
        %dma_start3A_110 = arith.constant 0 : i32
        %dma_start3A_111 = tpu.memref_slice %arg6[%arg0, %mul3A_109, %dma_start3A_110] : memref<2x10000x128xf32, #tpu.memory_space<hbm>> -> memref<1x632x128xf32, #tpu.memory_space<hbm>>
        %dma_start3A_112 = tpu.memref_squeeze %dma_start3A_111 : memref<1x632x128xf32, #tpu.memory_space<hbm>> -> memref<632x128xf32, #tpu.memory_space<hbm>>
        %dma_start3A_113 = arith.constant 0 : i32
        %dma_start3A_114 = tpu.memref_slice %arg19[%mul3A_107, %dma_start3A_113] : memref<10000x128xf32, #tpu.memory_space<vmem_shared>> -> memref<632x128xf32, #tpu.memory_space<vmem_shared>>
        tpu.enqueue_dma source(%dma_start3A_114 : memref<632x128xf32, #tpu.memory_space<vmem_shared>>) target(%dma_start3A_112 : memref<632x128xf32, #tpu.memory_space<hbm>>) target_semaphore(%run_scoped3A : memref<!tpu.dma_semaphore, #tpu.memory_space<semaphore_mem>>)
        %dma_wait3A_115 = arith.constant 0 : i32
        %dma_wait3A_116 = tpu.memref_slice %arg6[%arg0, %mul3A_109, %dma_wait3A_115] : memref<2x10000x128xf32, #tpu.memory_space<hbm>> -> memref<1x632x128xf32, #tpu.memory_space<hbm>>
        %dma_wait3A_117 = tpu.memref_squeeze %dma_wait3A_116 : memref<1x632x128xf32, #tpu.memory_space<hbm>> -> memref<632x128xf32, #tpu.memory_space<hbm>>
        %dma_wait3A_118 = arith.constant 0 : i32
        %dma_wait3A_119 = tpu.memref_slice %arg19[%mul3A_107, %dma_wait3A_118] : memref<10000x128xf32, #tpu.memory_space<vmem_shared>> -> memref<632x128xf32, #tpu.memory_space<vmem_shared>>
        tpu.wait_dma2 semaphore(%run_scoped3A : memref<!tpu.dma_semaphore, #tpu.memory_space<semaphore_mem>>) src(%dma_wait3A_119 : memref<632x128xf32, #tpu.memory_space<vmem_shared>>) dst(%dma_wait3A_117 : memref<632x128xf32, #tpu.memory_space<hbm>>)
        tpu.yield
      }) : () -> ()
    } else {
    }
    %eq3A_101 = arith.constant 15 : i32
    %eq3A_102 = arith.cmpi eq, %arg1, %eq3A_101 : i32
    %convert_element_type3A_103 = arith.extui %eq3A_102 : i1 to i32
    %cond3A_104 = arith.constant 0 : i32
    %cond3A_105 = arith.cmpi ne, %convert_element_type3A_103, %cond3A_104 : i32
    scf.if %cond3A_105 {
      "tpu.region"() ({
        %run_scoped3A = tpu.sem_alloc : memref<!tpu.dma_semaphore, #tpu.memory_space<semaphore_mem>>
        %dma_start3A_106 = arith.constant 9480 : i32
        %dma_start3A_107 = arith.constant 0 : i32
        %dma_start3A_108 = tpu.memref_slice %arg6[%arg0, %dma_start3A_106, %dma_start3A_107] : memref<2x10000x128xf32, #tpu.memory_space<hbm>> -> memref<1x520x128xf32, #tpu.memory_space<hbm>>
        %dma_start3A_109 = tpu.memref_squeeze %dma_start3A_108 : memref<1x520x128xf32, #tpu.memory_space<hbm>> -> memref<520x128xf32, #tpu.memory_space<hbm>>
        %dma_start3A_110 = arith.constant 9480 : i32
        %dma_start3A_111 = arith.constant 0 : i32
        %dma_start3A_112 = tpu.memref_slice %arg19[%dma_start3A_110, %dma_start3A_111] : memref<10000x128xf32, #tpu.memory_space<vmem_shared>> -> memref<520x128xf32, #tpu.memory_space<vmem_shared>>
        tpu.enqueue_dma source(%dma_start3A_112 : memref<520x128xf32, #tpu.memory_space<vmem_shared>>) target(%dma_start3A_109 : memref<520x128xf32, #tpu.memory_space<hbm>>) target_semaphore(%run_scoped3A : memref<!tpu.dma_semaphore, #tpu.memory_space<semaphore_mem>>)
        %dma_wait3A_113 = arith.constant 9480 : i32
        %dma_wait3A_114 = arith.constant 0 : i32
        %dma_wait3A_115 = tpu.memref_slice %arg6[%arg0, %dma_wait3A_113, %dma_wait3A_114] : memref<2x10000x128xf32, #tpu.memory_space<hbm>> -> memref<1x520x128xf32, #tpu.memory_space<hbm>>
        %dma_wait3A_116 = tpu.memref_squeeze %dma_wait3A_115 : memref<1x520x128xf32, #tpu.memory_space<hbm>> -> memref<520x128xf32, #tpu.memory_space<hbm>>
        %dma_wait3A_117 = arith.constant 9480 : i32
        %dma_wait3A_118 = arith.constant 0 : i32
        %dma_wait3A_119 = tpu.memref_slice %arg19[%dma_wait3A_117, %dma_wait3A_118] : memref<10000x128xf32, #tpu.memory_space<vmem_shared>> -> memref<520x128xf32, #tpu.memory_space<vmem_shared>>
        tpu.wait_dma2 semaphore(%run_scoped3A : memref<!tpu.dma_semaphore, #tpu.memory_space<semaphore_mem>>) src(%dma_wait3A_119 : memref<520x128xf32, #tpu.memory_space<vmem_shared>>) dst(%dma_wait3A_116 : memref<520x128xf32, #tpu.memory_space<hbm>>)
        tpu.yield
      }) : () -> ()
    } else {
    }
    return
  }
}

#map = affine_map<(d0, d1) -> (0, 0)>
#map1 = affine_map<(d0, d1) -> (0)>
#map2 = affine_map<(d0, d1) -> (0, 0, 0)>
module attributes {stable_mosaic.version = 14 : i64} {
  func.func @k(%arg0: i32, %arg1: i32, %arg2: memref<10000x128xf32, #tpu.memory_space<hbm>>, %arg3: memref<320000xi32, #tpu.memory_space<hbm>>, %arg4: memref<320000xi32, #tpu.memory_space<hbm>>, %arg5: memref<632x128xf32, #tpu.memory_space<hbm>>, %arg6: memref<2x10000x128xf32, #tpu.memory_space<hbm>>, %arg7: memref<80xi32, #tpu.memory_space<vmem>>, %arg8: memref<80xi32, #tpu.memory_space<vmem>>, %arg9: memref<80xi32, #tpu.memory_space<vmem>>, %arg10: memref<80xi32, #tpu.memory_space<vmem>>, %arg11: memref<80xi32, #tpu.memory_space<vmem>>, %arg12: memref<80xi32, #tpu.memory_space<vmem>>, %arg13: memref<80xi32, #tpu.memory_space<vmem>>, %arg14: memref<80xi32, #tpu.memory_space<vmem>>, %arg15: memref<80x128xf32, #tpu.memory_space<vmem>>, %arg16: memref<80x128xf32, #tpu.memory_space<vmem>>, %arg17: memref<80x128xf32, #tpu.memory_space<vmem>>, %arg18: memref<80x128xf32, #tpu.memory_space<vmem>>, %arg19: memref<10000x128xf32, #tpu.memory_space<vmem_shared>>, %arg20: memref<!tpu.dma_semaphore, #tpu.memory_space<semaphore_mem>>, %arg21: memref<!tpu.dma_semaphore, #tpu.memory_space<semaphore_mem>>, %arg22: memref<!tpu.dma_semaphore, #tpu.memory_space<semaphore_mem>>, %arg23: memref<!tpu.dma_semaphore, #tpu.memory_space<semaphore_mem>>, %arg24: memref<!tpu.dma_semaphore, #tpu.memory_space<semaphore_mem>>, %arg25: memref<!tpu.dma_semaphore, #tpu.memory_space<semaphore_mem>>, %arg26: memref<!tpu.dma_semaphore, #tpu.memory_space<semaphore_mem>>, %arg27: memref<!tpu.dma_semaphore, #tpu.memory_space<semaphore_mem>>, %arg28: memref<!tpu.dma_semaphore, #tpu.memory_space<semaphore_mem>>, %arg29: memref<!tpu.dma_semaphore, #tpu.memory_space<semaphore_mem>>, %arg30: memref<!tpu.dma_semaphore, #tpu.memory_space<semaphore_mem>>, %arg31: memref<!tpu.dma_semaphore, #tpu.memory_space<semaphore_mem>>, %arg32: memref<!tpu.dma_semaphore, #tpu.memory_space<semaphore_mem>>) attributes {dimension_semantics = [#tpu.dimension_semantics<core_parallel>, #tpu.dimension_semantics<subcore_parallel>], iteration_bounds = array<i64: 2, 16>, scalar_prefetch = 0 : i64, scratch_operands = 26 : i64, tpu.core_type = #tpu.core_type<sc_vector_subcore>, window_params = [{transform_indices = #map}, {transform_indices = #map1}, {transform_indices = #map1}, {transform_indices = #map}, {transform_indices = #map2}]} {
    %mul3A = arith.constant 16 : i32
    %mul3A_0 = arith.muli %arg0, %mul3A : i32
    %add3A = arith.addi %mul3A_0, %arg1 : i32
    %mul3A_1 = arith.constant 125 : i32
    %mul3A_2 = arith.muli %add3A, %mul3A_1 : i32
    %mul3A_3 = arith.constant 80 : i32
    %mul3A_4 = arith.muli %mul3A_2, %mul3A_3 : i32
    %lt3A = arith.constant 15 : i32
    %lt3A_5 = arith.cmpi slt, %arg1, %lt3A : i32
    %convert_element_type3A = arith.extui %lt3A_5 : i1 to i32
    %cond3A = arith.constant 0 : i32
    %cond3A_6 = arith.cmpi ne, %convert_element_type3A, %cond3A : i32
    scf.if %cond3A_6 {
      %mul3A_106 = arith.constant 632 : i32
      %mul3A_107 = arith.muli %arg1, %mul3A_106 : i32
      %dma_start3A_108 = arith.constant 0 : i32
      %dma_start3A_109 = tpu.memref_slice %arg19[%mul3A_107, %dma_start3A_108] : memref<10000x128xf32, #tpu.memory_space<vmem_shared>> -> memref<632x128xf32, #tpu.memory_space<vmem_shared>>
      tpu.enqueue_dma source(%arg5 : memref<632x128xf32, #tpu.memory_space<hbm>>) target(%dma_start3A_109 : memref<632x128xf32, #tpu.memory_space<vmem_shared>>) target_semaphore(%arg32 : memref<!tpu.dma_semaphore, #tpu.memory_space<semaphore_mem>>)
    } else {
    }
    %eq3A = arith.constant 15 : i32
    %eq3A_7 = arith.cmpi eq, %arg1, %eq3A : i32
    %convert_element_type3A_8 = arith.extui %eq3A_7 : i1 to i32
    %cond3A_9 = arith.constant 0 : i32
    %cond3A_10 = arith.cmpi ne, %convert_element_type3A_8, %cond3A_9 : i32
    scf.if %cond3A_10 {
      %dma_start3A_106 = arith.constant 9480 : i32
      %dma_start3A_107 = arith.constant 0 : i32
      %dma_start3A_108 = tpu.memref_slice %arg19[%dma_start3A_106, %dma_start3A_107] : memref<10000x128xf32, #tpu.memory_space<vmem_shared>> -> memref<520x128xf32, #tpu.memory_space<vmem_shared>>
      %dma_start3A_109 = arith.constant 0 : i32
      %dma_start3A_110 = arith.constant 0 : i32
      %dma_start3A_111 = tpu.memref_slice %arg5[%dma_start3A_109, %dma_start3A_110] : memref<632x128xf32, #tpu.memory_space<hbm>> -> memref<520x128xf32, #tpu.memory_space<hbm>>
      tpu.enqueue_dma source(%dma_start3A_111 : memref<520x128xf32, #tpu.memory_space<hbm>>) target(%dma_start3A_108 : memref<520x128xf32, #tpu.memory_space<vmem_shared>>) target_semaphore(%arg32 : memref<!tpu.dma_semaphore, #tpu.memory_space<semaphore_mem>>)
    } else {
    }
    %add3A_11 = arith.constant 0 : i32
    %add3A_12 = arith.addi %mul3A_4, %add3A_11 : i32
    %dma_start3A = tpu.memref_slice %arg3[%add3A_12] : memref<320000xi32, #tpu.memory_space<hbm>> -> memref<80xi32, #tpu.memory_space<hbm>>
    %dma_start3A_13 = tpu.memref_slice %arg3[%add3A_12] : memref<320000xi32, #tpu.memory_space<hbm>> -> memref<80xi32, #tpu.memory_space<hbm>>
    tpu.enqueue_dma source(%dma_start3A_13 : memref<80xi32, #tpu.memory_space<hbm>>) target(%arg7 : memref<80xi32, #tpu.memory_space<vmem>>) target_semaphore(%arg20 : memref<!tpu.dma_semaphore, #tpu.memory_space<semaphore_mem>>)
    %dma_start3A_14 = tpu.memref_slice %arg4[%add3A_12] : memref<320000xi32, #tpu.memory_space<hbm>> -> memref<80xi32, #tpu.memory_space<hbm>>
    %dma_start3A_15 = tpu.memref_slice %arg4[%add3A_12] : memref<320000xi32, #tpu.memory_space<hbm>> -> memref<80xi32, #tpu.memory_space<hbm>>
    tpu.enqueue_dma source(%dma_start3A_15 : memref<80xi32, #tpu.memory_space<hbm>>) target(%arg11 : memref<80xi32, #tpu.memory_space<vmem>>) target_semaphore(%arg20 : memref<!tpu.dma_semaphore, #tpu.memory_space<semaphore_mem>>)
    %add3A_16 = arith.constant 80 : i32
    %add3A_17 = arith.addi %mul3A_4, %add3A_16 : i32
    %dma_start3A_18 = tpu.memref_slice %arg3[%add3A_17] : memref<320000xi32, #tpu.memory_space<hbm>> -> memref<80xi32, #tpu.memory_space<hbm>>
    %dma_start3A_19 = tpu.memref_slice %arg3[%add3A_17] : memref<320000xi32, #tpu.memory_space<hbm>> -> memref<80xi32, #tpu.memory_space<hbm>>
    tpu.enqueue_dma source(%dma_start3A_19 : memref<80xi32, #tpu.memory_space<hbm>>) target(%arg8 : memref<80xi32, #tpu.memory_space<vmem>>) target_semaphore(%arg21 : memref<!tpu.dma_semaphore, #tpu.memory_space<semaphore_mem>>)
    %dma_start3A_20 = tpu.memref_slice %arg4[%add3A_17] : memref<320000xi32, #tpu.memory_space<hbm>> -> memref<80xi32, #tpu.memory_space<hbm>>
    %dma_start3A_21 = tpu.memref_slice %arg4[%add3A_17] : memref<320000xi32, #tpu.memory_space<hbm>> -> memref<80xi32, #tpu.memory_space<hbm>>
    tpu.enqueue_dma source(%dma_start3A_21 : memref<80xi32, #tpu.memory_space<hbm>>) target(%arg12 : memref<80xi32, #tpu.memory_space<vmem>>) target_semaphore(%arg21 : memref<!tpu.dma_semaphore, #tpu.memory_space<semaphore_mem>>)
    %add3A_22 = arith.constant 160 : i32
    %add3A_23 = arith.addi %mul3A_4, %add3A_22 : i32
    %dma_start3A_24 = tpu.memref_slice %arg3[%add3A_23] : memref<320000xi32, #tpu.memory_space<hbm>> -> memref<80xi32, #tpu.memory_space<hbm>>
    %dma_start3A_25 = tpu.memref_slice %arg3[%add3A_23] : memref<320000xi32, #tpu.memory_space<hbm>> -> memref<80xi32, #tpu.memory_space<hbm>>
    tpu.enqueue_dma source(%dma_start3A_25 : memref<80xi32, #tpu.memory_space<hbm>>) target(%arg9 : memref<80xi32, #tpu.memory_space<vmem>>) target_semaphore(%arg22 : memref<!tpu.dma_semaphore, #tpu.memory_space<semaphore_mem>>)
    %dma_start3A_26 = tpu.memref_slice %arg4[%add3A_23] : memref<320000xi32, #tpu.memory_space<hbm>> -> memref<80xi32, #tpu.memory_space<hbm>>
    %dma_start3A_27 = tpu.memref_slice %arg4[%add3A_23] : memref<320000xi32, #tpu.memory_space<hbm>> -> memref<80xi32, #tpu.memory_space<hbm>>
    tpu.enqueue_dma source(%dma_start3A_27 : memref<80xi32, #tpu.memory_space<hbm>>) target(%arg13 : memref<80xi32, #tpu.memory_space<vmem>>) target_semaphore(%arg22 : memref<!tpu.dma_semaphore, #tpu.memory_space<semaphore_mem>>)
    %dma_wait3A = arith.constant 0 : i32
    %dma_wait3A_28 = tpu.memref_slice %arg3[%dma_wait3A] : memref<320000xi32, #tpu.memory_space<hbm>> -> memref<80xi32, #tpu.memory_space<hbm>>
    %dma_wait3A_29 = arith.constant 0 : i32
    %dma_wait3A_30 = tpu.memref_slice %arg3[%dma_wait3A_29] : memref<320000xi32, #tpu.memory_space<hbm>> -> memref<80xi32, #tpu.memory_space<hbm>>
    tpu.wait_dma2 semaphore(%arg20 : memref<!tpu.dma_semaphore, #tpu.memory_space<semaphore_mem>>) src(%dma_wait3A_30 : memref<80xi32, #tpu.memory_space<hbm>>) dst(%arg7 : memref<80xi32, #tpu.memory_space<vmem>>)
    %dma_wait3A_31 = arith.constant 0 : i32
    %dma_wait3A_32 = tpu.memref_slice %arg4[%dma_wait3A_31] : memref<320000xi32, #tpu.memory_space<hbm>> -> memref<80xi32, #tpu.memory_space<hbm>>
    %dma_wait3A_33 = arith.constant 0 : i32
    %dma_wait3A_34 = tpu.memref_slice %arg4[%dma_wait3A_33] : memref<320000xi32, #tpu.memory_space<hbm>> -> memref<80xi32, #tpu.memory_space<hbm>>
    tpu.wait_dma2 semaphore(%arg20 : memref<!tpu.dma_semaphore, #tpu.memory_space<semaphore_mem>>) src(%dma_wait3A_34 : memref<80xi32, #tpu.memory_space<hbm>>) dst(%arg11 : memref<80xi32, #tpu.memory_space<vmem>>)
    %dma_start3A_35 = arith.constant 0 : i32
    %dma_start3A_36 = arith.constant 0 : i32
    %dma_start3A_37 = tpu.memref_slice %arg2[%dma_start3A_35, %dma_start3A_36] : memref<10000x128xf32, #tpu.memory_space<hbm>> -> memref<10000x128xf32, #tpu.memory_space<hbm>>
    tpu.enqueue_indirect_dma source(%dma_start3A_37 : memref<10000x128xf32, #tpu.memory_space<hbm>>) target(%arg15 : memref<80x128xf32, #tpu.memory_space<vmem>>) offsets(%arg7 : memref<80xi32, #tpu.memory_space<vmem>>) semaphore(%arg24 : memref<!tpu.dma_semaphore, #tpu.memory_space<semaphore_mem>>)
    %dma_wait3A_38 = arith.constant 0 : i32
    %dma_wait3A_39 = tpu.memref_slice %arg3[%dma_wait3A_38] : memref<320000xi32, #tpu.memory_space<hbm>> -> memref<80xi32, #tpu.memory_space<hbm>>
    %dma_wait3A_40 = arith.constant 0 : i32
    %dma_wait3A_41 = tpu.memref_slice %arg3[%dma_wait3A_40] : memref<320000xi32, #tpu.memory_space<hbm>> -> memref<80xi32, #tpu.memory_space<hbm>>
    tpu.wait_dma2 semaphore(%arg21 : memref<!tpu.dma_semaphore, #tpu.memory_space<semaphore_mem>>) src(%dma_wait3A_41 : memref<80xi32, #tpu.memory_space<hbm>>) dst(%arg8 : memref<80xi32, #tpu.memory_space<vmem>>)
    %dma_wait3A_42 = arith.constant 0 : i32
    %dma_wait3A_43 = tpu.memref_slice %arg4[%dma_wait3A_42] : memref<320000xi32, #tpu.memory_space<hbm>> -> memref<80xi32, #tpu.memory_space<hbm>>
    %dma_wait3A_44 = arith.constant 0 : i32
    %dma_wait3A_45 = tpu.memref_slice %arg4[%dma_wait3A_44] : memref<320000xi32, #tpu.memory_space<hbm>> -> memref<80xi32, #tpu.memory_space<hbm>>
    tpu.wait_dma2 semaphore(%arg21 : memref<!tpu.dma_semaphore, #tpu.memory_space<semaphore_mem>>) src(%dma_wait3A_45 : memref<80xi32, #tpu.memory_space<hbm>>) dst(%arg12 : memref<80xi32, #tpu.memory_space<vmem>>)
    %dma_start3A_46 = arith.constant 0 : i32
    %dma_start3A_47 = arith.constant 0 : i32
    %dma_start3A_48 = tpu.memref_slice %arg2[%dma_start3A_46, %dma_start3A_47] : memref<10000x128xf32, #tpu.memory_space<hbm>> -> memref<10000x128xf32, #tpu.memory_space<hbm>>
    tpu.enqueue_indirect_dma source(%dma_start3A_48 : memref<10000x128xf32, #tpu.memory_space<hbm>>) target(%arg16 : memref<80x128xf32, #tpu.memory_space<vmem>>) offsets(%arg8 : memref<80xi32, #tpu.memory_space<vmem>>) semaphore(%arg25 : memref<!tpu.dma_semaphore, #tpu.memory_space<semaphore_mem>>)
    %lt3A_49 = arith.constant 15 : i32
    %lt3A_50 = arith.cmpi slt, %arg1, %lt3A_49 : i32
    %convert_element_type3A_51 = arith.extui %lt3A_50 : i1 to i32
    %cond3A_52 = arith.constant 0 : i32
    %cond3A_53 = arith.cmpi ne, %convert_element_type3A_51, %cond3A_52 : i32
    scf.if %cond3A_53 {
      %mul3A_106 = arith.constant 632 : i32
      %mul3A_107 = arith.muli %arg1, %mul3A_106 : i32
      %dma_wait3A_108 = arith.constant 0 : i32
      %dma_wait3A_109 = tpu.memref_slice %arg19[%mul3A_107, %dma_wait3A_108] : memref<10000x128xf32, #tpu.memory_space<vmem_shared>> -> memref<632x128xf32, #tpu.memory_space<vmem_shared>>
      tpu.wait_dma2 semaphore(%arg32 : memref<!tpu.dma_semaphore, #tpu.memory_space<semaphore_mem>>) src(%arg5 : memref<632x128xf32, #tpu.memory_space<hbm>>) dst(%dma_wait3A_109 : memref<632x128xf32, #tpu.memory_space<vmem_shared>>)
    } else {
    }
    %eq3A_54 = arith.constant 15 : i32
    %eq3A_55 = arith.cmpi eq, %arg1, %eq3A_54 : i32
    %convert_element_type3A_56 = arith.extui %eq3A_55 : i1 to i32
    %cond3A_57 = arith.constant 0 : i32
    %cond3A_58 = arith.cmpi ne, %convert_element_type3A_56, %cond3A_57 : i32
    scf.if %cond3A_58 {
      %dma_wait3A_106 = arith.constant 9480 : i32
      %dma_wait3A_107 = arith.constant 0 : i32
      %dma_wait3A_108 = tpu.memref_slice %arg19[%dma_wait3A_106, %dma_wait3A_107] : memref<10000x128xf32, #tpu.memory_space<vmem_shared>> -> memref<520x128xf32, #tpu.memory_space<vmem_shared>>
      %dma_wait3A_109 = arith.constant 0 : i32
      %dma_wait3A_110 = arith.constant 0 : i32
      %dma_wait3A_111 = tpu.memref_slice %arg5[%dma_wait3A_109, %dma_wait3A_110] : memref<632x128xf32, #tpu.memory_space<hbm>> -> memref<520x128xf32, #tpu.memory_space<hbm>>
      tpu.wait_dma2 semaphore(%arg32 : memref<!tpu.dma_semaphore, #tpu.memory_space<semaphore_mem>>) src(%dma_wait3A_111 : memref<520x128xf32, #tpu.memory_space<hbm>>) dst(%dma_wait3A_108 : memref<520x128xf32, #tpu.memory_space<vmem_shared>>)
    } else {
    }
    %barrier3A = arith.constant 0 : index
    tpu.barrier barrier_id(%barrier3A)
    %add3A_59 = arith.constant 240 : i32
    %add3A_60 = arith.addi %mul3A_4, %add3A_59 : i32
    %dma_start3A_61 = tpu.memref_slice %arg3[%add3A_60] : memref<320000xi32, #tpu.memory_space<hbm>> -> memref<80xi32, #tpu.memory_space<hbm>>
    %dma_start3A_62 = tpu.memref_slice %arg3[%add3A_60] : memref<320000xi32, #tpu.memory_space<hbm>> -> memref<80xi32, #tpu.memory_space<hbm>>
    tpu.enqueue_dma source(%dma_start3A_62 : memref<80xi32, #tpu.memory_space<hbm>>) target(%arg10 : memref<80xi32, #tpu.memory_space<vmem>>) target_semaphore(%arg23 : memref<!tpu.dma_semaphore, #tpu.memory_space<semaphore_mem>>)
    %dma_start3A_63 = tpu.memref_slice %arg4[%add3A_60] : memref<320000xi32, #tpu.memory_space<hbm>> -> memref<80xi32, #tpu.memory_space<hbm>>
    %dma_start3A_64 = tpu.memref_slice %arg4[%add3A_60] : memref<320000xi32, #tpu.memory_space<hbm>> -> memref<80xi32, #tpu.memory_space<hbm>>
    tpu.enqueue_dma source(%dma_start3A_64 : memref<80xi32, #tpu.memory_space<hbm>>) target(%arg14 : memref<80xi32, #tpu.memory_space<vmem>>) target_semaphore(%arg23 : memref<!tpu.dma_semaphore, #tpu.memory_space<semaphore_mem>>)
    %dma_wait3A_65 = arith.constant 0 : i32
    %dma_wait3A_66 = tpu.memref_slice %arg3[%dma_wait3A_65] : memref<320000xi32, #tpu.memory_space<hbm>> -> memref<80xi32, #tpu.memory_space<hbm>>
    %dma_wait3A_67 = arith.constant 0 : i32
    %dma_wait3A_68 = tpu.memref_slice %arg3[%dma_wait3A_67] : memref<320000xi32, #tpu.memory_space<hbm>> -> memref<80xi32, #tpu.memory_space<hbm>>
    tpu.wait_dma2 semaphore(%arg22 : memref<!tpu.dma_semaphore, #tpu.memory_space<semaphore_mem>>) src(%dma_wait3A_68 : memref<80xi32, #tpu.memory_space<hbm>>) dst(%arg9 : memref<80xi32, #tpu.memory_space<vmem>>)
    %dma_wait3A_69 = arith.constant 0 : i32
    %dma_wait3A_70 = tpu.memref_slice %arg4[%dma_wait3A_69] : memref<320000xi32, #tpu.memory_space<hbm>> -> memref<80xi32, #tpu.memory_space<hbm>>
    %dma_wait3A_71 = arith.constant 0 : i32
    %dma_wait3A_72 = tpu.memref_slice %arg4[%dma_wait3A_71] : memref<320000xi32, #tpu.memory_space<hbm>> -> memref<80xi32, #tpu.memory_space<hbm>>
    tpu.wait_dma2 semaphore(%arg22 : memref<!tpu.dma_semaphore, #tpu.memory_space<semaphore_mem>>) src(%dma_wait3A_72 : memref<80xi32, #tpu.memory_space<hbm>>) dst(%arg13 : memref<80xi32, #tpu.memory_space<vmem>>)
    %dma_start3A_73 = arith.constant 0 : i32
    %dma_start3A_74 = arith.constant 0 : i32
    %dma_start3A_75 = tpu.memref_slice %arg2[%dma_start3A_73, %dma_start3A_74] : memref<10000x128xf32, #tpu.memory_space<hbm>> -> memref<10000x128xf32, #tpu.memory_space<hbm>>
    tpu.enqueue_indirect_dma source(%dma_start3A_75 : memref<10000x128xf32, #tpu.memory_space<hbm>>) target(%arg17 : memref<80x128xf32, #tpu.memory_space<vmem>>) offsets(%arg9 : memref<80xi32, #tpu.memory_space<vmem>>) semaphore(%arg26 : memref<!tpu.dma_semaphore, #tpu.memory_space<semaphore_mem>>)
    %dma_wait3A_76 = arith.constant 0 : i32
    %dma_wait3A_77 = arith.constant 0 : i32
    %dma_wait3A_78 = tpu.memref_slice %arg2[%dma_wait3A_76, %dma_wait3A_77] : memref<10000x128xf32, #tpu.memory_space<hbm>> -> memref<80x128xf32, #tpu.memory_space<hbm>>
    %dma_wait3A_79 = arith.constant 0 : i32
    %dma_wait3A_80 = arith.constant 0 : i32
    %dma_wait3A_81 = tpu.memref_slice %arg2[%dma_wait3A_79, %dma_wait3A_80] : memref<10000x128xf32, #tpu.memory_space<hbm>> -> memref<80x128xf32, #tpu.memory_space<hbm>>
    tpu.wait_dma2 semaphore(%arg24 : memref<!tpu.dma_semaphore, #tpu.memory_space<semaphore_mem>>) src(%dma_wait3A_81 : memref<80x128xf32, #tpu.memory_space<hbm>>) dst(%arg15 : memref<80x128xf32, #tpu.memory_space<vmem>>)
    %dma_start3A_82 = arith.constant 0 : i32
    %dma_start3A_83 = arith.constant 0 : i32
    %dma_start3A_84 = tpu.memref_slice %arg19[%dma_start3A_82, %dma_start3A_83] : memref<10000x128xf32, #tpu.memory_space<vmem_shared>> -> memref<10000x128xf32, #tpu.memory_space<vmem_shared>>
    tpu.enqueue_indirect_dma source(%arg15 : memref<80x128xf32, #tpu.memory_space<vmem>>) target(%dma_start3A_84 : memref<10000x128xf32, #tpu.memory_space<vmem_shared>>) offsets(%arg11 : memref<80xi32, #tpu.memory_space<vmem>>) semaphore(%arg28 : memref<!tpu.dma_semaphore, #tpu.memory_space<semaphore_mem>>) {add = true}
    %scan3A = arith.constant 0 : i32
    %scan3A_85 = arith.constant 31 : i32
    %scan3A_86 = arith.addi %scan3A, %scan3A_85 : i32
    %scan3A_87 = arith.constant 1 : i32
    scf.for %scan3A_106 = %scan3A to %scan3A_86 step %scan3A_87  : i32 {
      %mul3A_107 = arith.constant 1 : i32
      %mul3A_108 = arith.muli %scan3A_106, %mul3A_107 : i32
      %add3A_109 = arith.constant 0 : i32
      %add3A_110 = arith.addi %add3A_109, %mul3A_108 : i32
      %mul3A_111 = arith.constant 4 : i32
      %mul3A_112 = arith.muli %mul3A_111, %add3A_110 : i32
      %add3A_113 = arith.constant 1 : i32
      %add3A_114 = arith.addi %mul3A_112, %add3A_113 : i32
      %add3A_115 = arith.constant 0 : i32
      %add3A_116 = arith.addi %add3A_114, %add3A_115 : i32
      %dma_wait3A_117 = arith.constant 0 : i32
      %dma_wait3A_118 = arith.constant 0 : i32
      %dma_wait3A_119 = tpu.memref_slice %arg19[%dma_wait3A_117, %dma_wait3A_118] : memref<10000x128xf32, #tpu.memory_space<vmem_shared>> -> memref<80x128xf32, #tpu.memory_space<vmem_shared>>
      %dma_wait3A_120 = arith.constant 0 : i32
      %dma_wait3A_121 = arith.constant 0 : i32
      %dma_wait3A_122 = tpu.memref_slice %arg19[%dma_wait3A_120, %dma_wait3A_121] : memref<10000x128xf32, #tpu.memory_space<vmem_shared>> -> memref<80x128xf32, #tpu.memory_space<vmem_shared>>
      tpu.wait_dma2 semaphore(%arg28 : memref<!tpu.dma_semaphore, #tpu.memory_space<semaphore_mem>>) src(%arg15 : memref<80x128xf32, #tpu.memory_space<vmem>>) dst(%dma_wait3A_122 : memref<80x128xf32, #tpu.memory_space<vmem_shared>>)
      %add3A_123 = arith.constant 3 : i32
      %add3A_124 = arith.addi %add3A_116, %add3A_123 : i32
      %lt3A_125 = arith.constant 125 : i32
      %lt3A_126 = arith.cmpi slt, %add3A_124, %lt3A_125 : i32
      %convert_element_type3A_127 = arith.extui %lt3A_126 : i1 to i32
      %cond3A_128 = arith.constant 0 : i32
      %cond3A_129 = arith.cmpi ne, %convert_element_type3A_127, %cond3A_128 : i32
      scf.if %cond3A_129 {
        %add3A_251 = arith.constant 3 : i32
        %add3A_252 = arith.addi %add3A_116, %add3A_251 : i32
        %mul3A_253 = arith.constant 80 : i32
        %mul3A_254 = arith.muli %add3A_252, %mul3A_253 : i32
        %add3A_255 = arith.addi %mul3A_4, %mul3A_254 : i32
        %dma_start3A_256 = tpu.memref_slice %arg3[%add3A_255] : memref<320000xi32, #tpu.memory_space<hbm>> -> memref<80xi32, #tpu.memory_space<hbm>>
        %dma_start3A_257 = tpu.memref_slice %arg3[%add3A_255] : memref<320000xi32, #tpu.memory_space<hbm>> -> memref<80xi32, #tpu.memory_space<hbm>>
        tpu.enqueue_dma source(%dma_start3A_257 : memref<80xi32, #tpu.memory_space<hbm>>) target(%arg7 : memref<80xi32, #tpu.memory_space<vmem>>) target_semaphore(%arg20 : memref<!tpu.dma_semaphore, #tpu.memory_space<semaphore_mem>>)
        %dma_start3A_258 = tpu.memref_slice %arg4[%add3A_255] : memref<320000xi32, #tpu.memory_space<hbm>> -> memref<80xi32, #tpu.memory_space<hbm>>
        %dma_start3A_259 = tpu.memref_slice %arg4[%add3A_255] : memref<320000xi32, #tpu.memory_space<hbm>> -> memref<80xi32, #tpu.memory_space<hbm>>
        tpu.enqueue_dma source(%dma_start3A_259 : memref<80xi32, #tpu.memory_space<hbm>>) target(%arg11 : memref<80xi32, #tpu.memory_space<vmem>>) target_semaphore(%arg20 : memref<!tpu.dma_semaphore, #tpu.memory_space<semaphore_mem>>)
      } else {
      }
      %add3A_130 = arith.constant 2 : i32
      %add3A_131 = arith.addi %add3A_116, %add3A_130 : i32
      %lt3A_132 = arith.constant 125 : i32
      %lt3A_133 = arith.cmpi slt, %add3A_131, %lt3A_132 : i32
      %convert_element_type3A_134 = arith.extui %lt3A_133 : i1 to i32
      %cond3A_135 = arith.constant 0 : i32
      %cond3A_136 = arith.cmpi ne, %convert_element_type3A_134, %cond3A_135 : i32
      scf.if %cond3A_136 {
        %dma_wait3A_251 = arith.constant 0 : i32
        %dma_wait3A_252 = tpu.memref_slice %arg3[%dma_wait3A_251] : memref<320000xi32, #tpu.memory_space<hbm>> -> memref<80xi32, #tpu.memory_space<hbm>>
        %dma_wait3A_253 = arith.constant 0 : i32
        %dma_wait3A_254 = tpu.memref_slice %arg3[%dma_wait3A_253] : memref<320000xi32, #tpu.memory_space<hbm>> -> memref<80xi32, #tpu.memory_space<hbm>>
        tpu.wait_dma2 semaphore(%arg23 : memref<!tpu.dma_semaphore, #tpu.memory_space<semaphore_mem>>) src(%dma_wait3A_254 : memref<80xi32, #tpu.memory_space<hbm>>) dst(%arg10 : memref<80xi32, #tpu.memory_space<vmem>>)
        %dma_wait3A_255 = arith.constant 0 : i32
        %dma_wait3A_256 = tpu.memref_slice %arg4[%dma_wait3A_255] : memref<320000xi32, #tpu.memory_space<hbm>> -> memref<80xi32, #tpu.memory_space<hbm>>
        %dma_wait3A_257 = arith.constant 0 : i32
        %dma_wait3A_258 = tpu.memref_slice %arg4[%dma_wait3A_257] : memref<320000xi32, #tpu.memory_space<hbm>> -> memref<80xi32, #tpu.memory_space<hbm>>
        tpu.wait_dma2 semaphore(%arg23 : memref<!tpu.dma_semaphore, #tpu.memory_space<semaphore_mem>>) src(%dma_wait3A_258 : memref<80xi32, #tpu.memory_space<hbm>>) dst(%arg14 : memref<80xi32, #tpu.memory_space<vmem>>)
        %dma_start3A_259 = arith.constant 0 : i32
        %dma_start3A_260 = arith.constant 0 : i32
        %dma_start3A_261 = tpu.memref_slice %arg2[%dma_start3A_259, %dma_start3A_260] : memref<10000x128xf32, #tpu.memory_space<hbm>> -> memref<10000x128xf32, #tpu.memory_space<hbm>>
        tpu.enqueue_indirect_dma source(%dma_start3A_261 : memref<10000x128xf32, #tpu.memory_space<hbm>>) target(%arg18 : memref<80x128xf32, #tpu.memory_space<vmem>>) offsets(%arg10 : memref<80xi32, #tpu.memory_space<vmem>>) semaphore(%arg27 : memref<!tpu.dma_semaphore, #tpu.memory_space<semaphore_mem>>)
      } else {
      }
      %dma_wait3A_137 = arith.constant 0 : i32
      %dma_wait3A_138 = arith.constant 0 : i32
      %dma_wait3A_139 = tpu.memref_slice %arg2[%dma_wait3A_137, %dma_wait3A_138] : memref<10000x128xf32, #tpu.memory_space<hbm>> -> memref<80x128xf32, #tpu.memory_space<hbm>>
      %dma_wait3A_140 = arith.constant 0 : i32
      %dma_wait3A_141 = arith.constant 0 : i32
      %dma_wait3A_142 = tpu.memref_slice %arg2[%dma_wait3A_140, %dma_wait3A_141] : memref<10000x128xf32, #tpu.memory_space<hbm>> -> memref<80x128xf32, #tpu.memory_space<hbm>>
      tpu.wait_dma2 semaphore(%arg25 : memref<!tpu.dma_semaphore, #tpu.memory_space<semaphore_mem>>) src(%dma_wait3A_142 : memref<80x128xf32, #tpu.memory_space<hbm>>) dst(%arg16 : memref<80x128xf32, #tpu.memory_space<vmem>>)
      %dma_start3A_143 = arith.constant 0 : i32
      %dma_start3A_144 = arith.constant 0 : i32
      %dma_start3A_145 = tpu.memref_slice %arg19[%dma_start3A_143, %dma_start3A_144] : memref<10000x128xf32, #tpu.memory_space<vmem_shared>> -> memref<10000x128xf32, #tpu.memory_space<vmem_shared>>
      tpu.enqueue_indirect_dma source(%arg16 : memref<80x128xf32, #tpu.memory_space<vmem>>) target(%dma_start3A_145 : memref<10000x128xf32, #tpu.memory_space<vmem_shared>>) offsets(%arg12 : memref<80xi32, #tpu.memory_space<vmem>>) semaphore(%arg29 : memref<!tpu.dma_semaphore, #tpu.memory_space<semaphore_mem>>) {add = true}
      %mul3A_146 = arith.constant 4 : i32
      %mul3A_147 = arith.muli %mul3A_146, %add3A_110 : i32
      %add3A_148 = arith.constant 1 : i32
      %add3A_149 = arith.addi %mul3A_147, %add3A_148 : i32
      %add3A_150 = arith.constant 1 : i32
      %add3A_151 = arith.addi %add3A_149, %add3A_150 : i32
      %dma_wait3A_152 = arith.constant 0 : i32
      %dma_wait3A_153 = arith.constant 0 : i32
      %dma_wait3A_154 = tpu.memref_slice %arg19[%dma_wait3A_152, %dma_wait3A_153] : memref<10000x128xf32, #tpu.memory_space<vmem_shared>> -> memref<80x128xf32, #tpu.memory_space<vmem_shared>>
      %dma_wait3A_155 = arith.constant 0 : i32
      %dma_wait3A_156 = arith.constant 0 : i32
      %dma_wait3A_157 = tpu.memref_slice %arg19[%dma_wait3A_155, %dma_wait3A_156] : memref<10000x128xf32, #tpu.memory_space<vmem_shared>> -> memref<80x128xf32, #tpu.memory_space<vmem_shared>>
      tpu.wait_dma2 semaphore(%arg29 : memref<!tpu.dma_semaphore, #tpu.memory_space<semaphore_mem>>) src(%arg16 : memref<80x128xf32, #tpu.memory_space<vmem>>) dst(%dma_wait3A_157 : memref<80x128xf32, #tpu.memory_space<vmem_shared>>)
      %add3A_158 = arith.constant 3 : i32
      %add3A_159 = arith.addi %add3A_151, %add3A_158 : i32
      %lt3A_160 = arith.constant 125 : i32
      %lt3A_161 = arith.cmpi slt, %add3A_159, %lt3A_160 : i32
      %convert_element_type3A_162 = arith.extui %lt3A_161 : i1 to i32
      %cond3A_163 = arith.constant 0 : i32
      %cond3A_164 = arith.cmpi ne, %convert_element_type3A_162, %cond3A_163 : i32
      scf.if %cond3A_164 {
        %add3A_251 = arith.constant 3 : i32
        %add3A_252 = arith.addi %add3A_151, %add3A_251 : i32
        %mul3A_253 = arith.constant 80 : i32
        %mul3A_254 = arith.muli %add3A_252, %mul3A_253 : i32
        %add3A_255 = arith.addi %mul3A_4, %mul3A_254 : i32
        %dma_start3A_256 = tpu.memref_slice %arg3[%add3A_255] : memref<320000xi32, #tpu.memory_space<hbm>> -> memref<80xi32, #tpu.memory_space<hbm>>
        %dma_start3A_257 = tpu.memref_slice %arg3[%add3A_255] : memref<320000xi32, #tpu.memory_space<hbm>> -> memref<80xi32, #tpu.memory_space<hbm>>
        tpu.enqueue_dma source(%dma_start3A_257 : memref<80xi32, #tpu.memory_space<hbm>>) target(%arg8 : memref<80xi32, #tpu.memory_space<vmem>>) target_semaphore(%arg21 : memref<!tpu.dma_semaphore, #tpu.memory_space<semaphore_mem>>)
        %dma_start3A_258 = tpu.memref_slice %arg4[%add3A_255] : memref<320000xi32, #tpu.memory_space<hbm>> -> memref<80xi32, #tpu.memory_space<hbm>>
        %dma_start3A_259 = tpu.memref_slice %arg4[%add3A_255] : memref<320000xi32, #tpu.memory_space<hbm>> -> memref<80xi32, #tpu.memory_space<hbm>>
        tpu.enqueue_dma source(%dma_start3A_259 : memref<80xi32, #tpu.memory_space<hbm>>) target(%arg12 : memref<80xi32, #tpu.memory_space<vmem>>) target_semaphore(%arg21 : memref<!tpu.dma_semaphore, #tpu.memory_space<semaphore_mem>>)
      } else {
      }
      %add3A_165 = arith.constant 2 : i32
      %add3A_166 = arith.addi %add3A_151, %add3A_165 : i32
      %lt3A_167 = arith.constant 125 : i32
      %lt3A_168 = arith.cmpi slt, %add3A_166, %lt3A_167 : i32
      %convert_element_type3A_169 = arith.extui %lt3A_168 : i1 to i32
      %cond3A_170 = arith.constant 0 : i32
      %cond3A_171 = arith.cmpi ne, %convert_element_type3A_169, %cond3A_170 : i32
      scf.if %cond3A_171 {
        %dma_wait3A_251 = arith.constant 0 : i32
        %dma_wait3A_252 = tpu.memref_slice %arg3[%dma_wait3A_251] : memref<320000xi32, #tpu.memory_space<hbm>> -> memref<80xi32, #tpu.memory_space<hbm>>
        %dma_wait3A_253 = arith.constant 0 : i32
        %dma_wait3A_254 = tpu.memref_slice %arg3[%dma_wait3A_253] : memref<320000xi32, #tpu.memory_space<hbm>> -> memref<80xi32, #tpu.memory_space<hbm>>
        tpu.wait_dma2 semaphore(%arg20 : memref<!tpu.dma_semaphore, #tpu.memory_space<semaphore_mem>>) src(%dma_wait3A_254 : memref<80xi32, #tpu.memory_space<hbm>>) dst(%arg7 : memref<80xi32, #tpu.memory_space<vmem>>)
        %dma_wait3A_255 = arith.constant 0 : i32
        %dma_wait3A_256 = tpu.memref_slice %arg4[%dma_wait3A_255] : memref<320000xi32, #tpu.memory_space<hbm>> -> memref<80xi32, #tpu.memory_space<hbm>>
        %dma_wait3A_257 = arith.constant 0 : i32
        %dma_wait3A_258 = tpu.memref_slice %arg4[%dma_wait3A_257] : memref<320000xi32, #tpu.memory_space<hbm>> -> memref<80xi32, #tpu.memory_space<hbm>>
        tpu.wait_dma2 semaphore(%arg20 : memref<!tpu.dma_semaphore, #tpu.memory_space<semaphore_mem>>) src(%dma_wait3A_258 : memref<80xi32, #tpu.memory_space<hbm>>) dst(%arg11 : memref<80xi32, #tpu.memory_space<vmem>>)
        %dma_start3A_259 = arith.constant 0 : i32
        %dma_start3A_260 = arith.constant 0 : i32
        %dma_start3A_261 = tpu.memref_slice %arg2[%dma_start3A_259, %dma_start3A_260] : memref<10000x128xf32, #tpu.memory_space<hbm>> -> memref<10000x128xf32, #tpu.memory_space<hbm>>
        tpu.enqueue_indirect_dma source(%dma_start3A_261 : memref<10000x128xf32, #tpu.memory_space<hbm>>) target(%arg15 : memref<80x128xf32, #tpu.memory_space<vmem>>) offsets(%arg7 : memref<80xi32, #tpu.memory_space<vmem>>) semaphore(%arg24 : memref<!tpu.dma_semaphore, #tpu.memory_space<semaphore_mem>>)
      } else {
      }
      %dma_wait3A_172 = arith.constant 0 : i32
      %dma_wait3A_173 = arith.constant 0 : i32
      %dma_wait3A_174 = tpu.memref_slice %arg2[%dma_wait3A_172, %dma_wait3A_173] : memref<10000x128xf32, #tpu.memory_space<hbm>> -> memref<80x128xf32, #tpu.memory_space<hbm>>
      %dma_wait3A_175 = arith.constant 0 : i32
      %dma_wait3A_176 = arith.constant 0 : i32
      %dma_wait3A_177 = tpu.memref_slice %arg2[%dma_wait3A_175, %dma_wait3A_176] : memref<10000x128xf32, #tpu.memory_space<hbm>> -> memref<80x128xf32, #tpu.memory_space<hbm>>
      tpu.wait_dma2 semaphore(%arg26 : memref<!tpu.dma_semaphore, #tpu.memory_space<semaphore_mem>>) src(%dma_wait3A_177 : memref<80x128xf32, #tpu.memory_space<hbm>>) dst(%arg17 : memref<80x128xf32, #tpu.memory_space<vmem>>)
      %dma_start3A_178 = arith.constant 0 : i32
      %dma_start3A_179 = arith.constant 0 : i32
      %dma_start3A_180 = tpu.memref_slice %arg19[%dma_start3A_178, %dma_start3A_179] : memref<10000x128xf32, #tpu.memory_space<vmem_shared>> -> memref<10000x128xf32, #tpu.memory_space<vmem_shared>>
      tpu.enqueue_indirect_dma source(%arg17 : memref<80x128xf32, #tpu.memory_space<vmem>>) target(%dma_start3A_180 : memref<10000x128xf32, #tpu.memory_space<vmem_shared>>) offsets(%arg13 : memref<80xi32, #tpu.memory_space<vmem>>) semaphore(%arg30 : memref<!tpu.dma_semaphore, #tpu.memory_space<semaphore_mem>>) {add = true}
      %mul3A_181 = arith.constant 4 : i32
      %mul3A_182 = arith.muli %mul3A_181, %add3A_110 : i32
      %add3A_183 = arith.constant 1 : i32
      %add3A_184 = arith.addi %mul3A_182, %add3A_183 : i32
      %add3A_185 = arith.constant 2 : i32
      %add3A_186 = arith.addi %add3A_184, %add3A_185 : i32
      %dma_wait3A_187 = arith.constant 0 : i32
      %dma_wait3A_188 = arith.constant 0 : i32
      %dma_wait3A_189 = tpu.memref_slice %arg19[%dma_wait3A_187, %dma_wait3A_188] : memref<10000x128xf32, #tpu.memory_space<vmem_shared>> -> memref<80x128xf32, #tpu.memory_space<vmem_shared>>
      %dma_wait3A_190 = arith.constant 0 : i32
      %dma_wait3A_191 = arith.constant 0 : i32
      %dma_wait3A_192 = tpu.memref_slice %arg19[%dma_wait3A_190, %dma_wait3A_191] : memref<10000x128xf32, #tpu.memory_space<vmem_shared>> -> memref<80x128xf32, #tpu.memory_space<vmem_shared>>
      tpu.wait_dma2 semaphore(%arg30 : memref<!tpu.dma_semaphore, #tpu.memory_space<semaphore_mem>>) src(%arg17 : memref<80x128xf32, #tpu.memory_space<vmem>>) dst(%dma_wait3A_192 : memref<80x128xf32, #tpu.memory_space<vmem_shared>>)
      %add3A_193 = arith.constant 3 : i32
      %add3A_194 = arith.addi %add3A_186, %add3A_193 : i32
      %lt3A_195 = arith.constant 125 : i32
      %lt3A_196 = arith.cmpi slt, %add3A_194, %lt3A_195 : i32
      %convert_element_type3A_197 = arith.extui %lt3A_196 : i1 to i32
      %cond3A_198 = arith.constant 0 : i32
      %cond3A_199 = arith.cmpi ne, %convert_element_type3A_197, %cond3A_198 : i32
      scf.if %cond3A_199 {
        %add3A_251 = arith.constant 3 : i32
        %add3A_252 = arith.addi %add3A_186, %add3A_251 : i32
        %mul3A_253 = arith.constant 80 : i32
        %mul3A_254 = arith.muli %add3A_252, %mul3A_253 : i32
        %add3A_255 = arith.addi %mul3A_4, %mul3A_254 : i32
        %dma_start3A_256 = tpu.memref_slice %arg3[%add3A_255] : memref<320000xi32, #tpu.memory_space<hbm>> -> memref<80xi32, #tpu.memory_space<hbm>>
        %dma_start3A_257 = tpu.memref_slice %arg3[%add3A_255] : memref<320000xi32, #tpu.memory_space<hbm>> -> memref<80xi32, #tpu.memory_space<hbm>>
        tpu.enqueue_dma source(%dma_start3A_257 : memref<80xi32, #tpu.memory_space<hbm>>) target(%arg9 : memref<80xi32, #tpu.memory_space<vmem>>) target_semaphore(%arg22 : memref<!tpu.dma_semaphore, #tpu.memory_space<semaphore_mem>>)
        %dma_start3A_258 = tpu.memref_slice %arg4[%add3A_255] : memref<320000xi32, #tpu.memory_space<hbm>> -> memref<80xi32, #tpu.memory_space<hbm>>
        %dma_start3A_259 = tpu.memref_slice %arg4[%add3A_255] : memref<320000xi32, #tpu.memory_space<hbm>> -> memref<80xi32, #tpu.memory_space<hbm>>
        tpu.enqueue_dma source(%dma_start3A_259 : memref<80xi32, #tpu.memory_space<hbm>>) target(%arg13 : memref<80xi32, #tpu.memory_space<vmem>>) target_semaphore(%arg22 : memref<!tpu.dma_semaphore, #tpu.memory_space<semaphore_mem>>)
      } else {
      }
      %add3A_200 = arith.constant 2 : i32
      %add3A_201 = arith.addi %add3A_186, %add3A_200 : i32
      %lt3A_202 = arith.constant 125 : i32
      %lt3A_203 = arith.cmpi slt, %add3A_201, %lt3A_202 : i32
      %convert_element_type3A_204 = arith.extui %lt3A_203 : i1 to i32
      %cond3A_205 = arith.constant 0 : i32
      %cond3A_206 = arith.cmpi ne, %convert_element_type3A_204, %cond3A_205 : i32
      scf.if %cond3A_206 {
        %dma_wait3A_251 = arith.constant 0 : i32
        %dma_wait3A_252 = tpu.memref_slice %arg3[%dma_wait3A_251] : memref<320000xi32, #tpu.memory_space<hbm>> -> memref<80xi32, #tpu.memory_space<hbm>>
        %dma_wait3A_253 = arith.constant 0 : i32
        %dma_wait3A_254 = tpu.memref_slice %arg3[%dma_wait3A_253] : memref<320000xi32, #tpu.memory_space<hbm>> -> memref<80xi32, #tpu.memory_space<hbm>>
        tpu.wait_dma2 semaphore(%arg21 : memref<!tpu.dma_semaphore, #tpu.memory_space<semaphore_mem>>) src(%dma_wait3A_254 : memref<80xi32, #tpu.memory_space<hbm>>) dst(%arg8 : memref<80xi32, #tpu.memory_space<vmem>>)
        %dma_wait3A_255 = arith.constant 0 : i32
        %dma_wait3A_256 = tpu.memref_slice %arg4[%dma_wait3A_255] : memref<320000xi32, #tpu.memory_space<hbm>> -> memref<80xi32, #tpu.memory_space<hbm>>
        %dma_wait3A_257 = arith.constant 0 : i32
        %dma_wait3A_258 = tpu.memref_slice %arg4[%dma_wait3A_257] : memref<320000xi32, #tpu.memory_space<hbm>> -> memref<80xi32, #tpu.memory_space<hbm>>
        tpu.wait_dma2 semaphore(%arg21 : memref<!tpu.dma_semaphore, #tpu.memory_space<semaphore_mem>>) src(%dma_wait3A_258 : memref<80xi32, #tpu.memory_space<hbm>>) dst(%arg12 : memref<80xi32, #tpu.memory_space<vmem>>)
        %dma_start3A_259 = arith.constant 0 : i32
        %dma_start3A_260 = arith.constant 0 : i32
        %dma_start3A_261 = tpu.memref_slice %arg2[%dma_start3A_259, %dma_start3A_260] : memref<10000x128xf32, #tpu.memory_space<hbm>> -> memref<10000x128xf32, #tpu.memory_space<hbm>>
        tpu.enqueue_indirect_dma source(%dma_start3A_261 : memref<10000x128xf32, #tpu.memory_space<hbm>>) target(%arg16 : memref<80x128xf32, #tpu.memory_space<vmem>>) offsets(%arg8 : memref<80xi32, #tpu.memory_space<vmem>>) semaphore(%arg25 : memref<!tpu.dma_semaphore, #tpu.memory_space<semaphore_mem>>)
      } else {
      }
      %dma_wait3A_207 = arith.constant 0 : i32
      %dma_wait3A_208 = arith.constant 0 : i32
      %dma_wait3A_209 = tpu.memref_slice %arg2[%dma_wait3A_207, %dma_wait3A_208] : memref<10000x128xf32, #tpu.memory_space<hbm>> -> memref<80x128xf32, #tpu.memory_space<hbm>>
      %dma_wait3A_210 = arith.constant 0 : i32
      %dma_wait3A_211 = arith.constant 0 : i32
      %dma_wait3A_212 = tpu.memref_slice %arg2[%dma_wait3A_210, %dma_wait3A_211] : memref<10000x128xf32, #tpu.memory_space<hbm>> -> memref<80x128xf32, #tpu.memory_space<hbm>>
      tpu.wait_dma2 semaphore(%arg27 : memref<!tpu.dma_semaphore, #tpu.memory_space<semaphore_mem>>) src(%dma_wait3A_212 : memref<80x128xf32, #tpu.memory_space<hbm>>) dst(%arg18 : memref<80x128xf32, #tpu.memory_space<vmem>>)
      %dma_start3A_213 = arith.constant 0 : i32
      %dma_start3A_214 = arith.constant 0 : i32
      %dma_start3A_215 = tpu.memref_slice %arg19[%dma_start3A_213, %dma_start3A_214] : memref<10000x128xf32, #tpu.memory_space<vmem_shared>> -> memref<10000x128xf32, #tpu.memory_space<vmem_shared>>
      tpu.enqueue_indirect_dma source(%arg18 : memref<80x128xf32, #tpu.memory_space<vmem>>) target(%dma_start3A_215 : memref<10000x128xf32, #tpu.memory_space<vmem_shared>>) offsets(%arg14 : memref<80xi32, #tpu.memory_space<vmem>>) semaphore(%arg31 : memref<!tpu.dma_semaphore, #tpu.memory_space<semaphore_mem>>) {add = true}
      %mul3A_216 = arith.constant 4 : i32
      %mul3A_217 = arith.muli %mul3A_216, %add3A_110 : i32
      %add3A_218 = arith.constant 1 : i32
      %add3A_219 = arith.addi %mul3A_217, %add3A_218 : i32
      %add3A_220 = arith.constant 3 : i32
      %add3A_221 = arith.addi %add3A_219, %add3A_220 : i32
      %dma_wait3A_222 = arith.constant 0 : i32
      %dma_wait3A_223 = arith.constant 0 : i32
      %dma_wait3A_224 = tpu.memref_slice %arg19[%dma_wait3A_222, %dma_wait3A_223] : memref<10000x128xf32, #tpu.memory_space<vmem_shared>> -> memref<80x128xf32, #tpu.memory_space<vmem_shared>>
      %dma_wait3A_225 = arith.constant 0 : i32
      %dma_wait3A_226 = arith.constant 0 : i32
      %dma_wait3A_227 = tpu.memref_slice %arg19[%dma_wait3A_225, %dma_wait3A_226] : memref<10000x128xf32, #tpu.memory_space<vmem_shared>> -> memref<80x128xf32, #tpu.memory_space<vmem_shared>>
      tpu.wait_dma2 semaphore(%arg31 : memref<!tpu.dma_semaphore, #tpu.memory_space<semaphore_mem>>) src(%arg18 : memref<80x128xf32, #tpu.memory_space<vmem>>) dst(%dma_wait3A_227 : memref<80x128xf32, #tpu.memory_space<vmem_shared>>)
      %add3A_228 = arith.constant 3 : i32
      %add3A_229 = arith.addi %add3A_221, %add3A_228 : i32
      %lt3A_230 = arith.constant 125 : i32
      %lt3A_231 = arith.cmpi slt, %add3A_229, %lt3A_230 : i32
      %convert_element_type3A_232 = arith.extui %lt3A_231 : i1 to i32
      %cond3A_233 = arith.constant 0 : i32
      %cond3A_234 = arith.cmpi ne, %convert_element_type3A_232, %cond3A_233 : i32
      scf.if %cond3A_234 {
        %add3A_251 = arith.constant 3 : i32
        %add3A_252 = arith.addi %add3A_221, %add3A_251 : i32
        %mul3A_253 = arith.constant 80 : i32
        %mul3A_254 = arith.muli %add3A_252, %mul3A_253 : i32
        %add3A_255 = arith.addi %mul3A_4, %mul3A_254 : i32
        %dma_start3A_256 = tpu.memref_slice %arg3[%add3A_255] : memref<320000xi32, #tpu.memory_space<hbm>> -> memref<80xi32, #tpu.memory_space<hbm>>
        %dma_start3A_257 = tpu.memref_slice %arg3[%add3A_255] : memref<320000xi32, #tpu.memory_space<hbm>> -> memref<80xi32, #tpu.memory_space<hbm>>
        tpu.enqueue_dma source(%dma_start3A_257 : memref<80xi32, #tpu.memory_space<hbm>>) target(%arg10 : memref<80xi32, #tpu.memory_space<vmem>>) target_semaphore(%arg23 : memref<!tpu.dma_semaphore, #tpu.memory_space<semaphore_mem>>)
        %dma_start3A_258 = tpu.memref_slice %arg4[%add3A_255] : memref<320000xi32, #tpu.memory_space<hbm>> -> memref<80xi32, #tpu.memory_space<hbm>>
        %dma_start3A_259 = tpu.memref_slice %arg4[%add3A_255] : memref<320000xi32, #tpu.memory_space<hbm>> -> memref<80xi32, #tpu.memory_space<hbm>>
        tpu.enqueue_dma source(%dma_start3A_259 : memref<80xi32, #tpu.memory_space<hbm>>) target(%arg14 : memref<80xi32, #tpu.memory_space<vmem>>) target_semaphore(%arg23 : memref<!tpu.dma_semaphore, #tpu.memory_space<semaphore_mem>>)
      } else {
      }
      %add3A_235 = arith.constant 2 : i32
      %add3A_236 = arith.addi %add3A_221, %add3A_235 : i32
      %lt3A_237 = arith.constant 125 : i32
      %lt3A_238 = arith.cmpi slt, %add3A_236, %lt3A_237 : i32
      %convert_element_type3A_239 = arith.extui %lt3A_238 : i1 to i32
      %cond3A_240 = arith.constant 0 : i32
      %cond3A_241 = arith.cmpi ne, %convert_element_type3A_239, %cond3A_240 : i32
      scf.if %cond3A_241 {
        %dma_wait3A_251 = arith.constant 0 : i32
        %dma_wait3A_252 = tpu.memref_slice %arg3[%dma_wait3A_251] : memref<320000xi32, #tpu.memory_space<hbm>> -> memref<80xi32, #tpu.memory_space<hbm>>
        %dma_wait3A_253 = arith.constant 0 : i32
        %dma_wait3A_254 = tpu.memref_slice %arg3[%dma_wait3A_253] : memref<320000xi32, #tpu.memory_space<hbm>> -> memref<80xi32, #tpu.memory_space<hbm>>
        tpu.wait_dma2 semaphore(%arg22 : memref<!tpu.dma_semaphore, #tpu.memory_space<semaphore_mem>>) src(%dma_wait3A_254 : memref<80xi32, #tpu.memory_space<hbm>>) dst(%arg9 : memref<80xi32, #tpu.memory_space<vmem>>)
        %dma_wait3A_255 = arith.constant 0 : i32
        %dma_wait3A_256 = tpu.memref_slice %arg4[%dma_wait3A_255] : memref<320000xi32, #tpu.memory_space<hbm>> -> memref<80xi32, #tpu.memory_space<hbm>>
        %dma_wait3A_257 = arith.constant 0 : i32
        %dma_wait3A_258 = tpu.memref_slice %arg4[%dma_wait3A_257] : memref<320000xi32, #tpu.memory_space<hbm>> -> memref<80xi32, #tpu.memory_space<hbm>>
        tpu.wait_dma2 semaphore(%arg22 : memref<!tpu.dma_semaphore, #tpu.memory_space<semaphore_mem>>) src(%dma_wait3A_258 : memref<80xi32, #tpu.memory_space<hbm>>) dst(%arg13 : memref<80xi32, #tpu.memory_space<vmem>>)
        %dma_start3A_259 = arith.constant 0 : i32
        %dma_start3A_260 = arith.constant 0 : i32
        %dma_start3A_261 = tpu.memref_slice %arg2[%dma_start3A_259, %dma_start3A_260] : memref<10000x128xf32, #tpu.memory_space<hbm>> -> memref<10000x128xf32, #tpu.memory_space<hbm>>
        tpu.enqueue_indirect_dma source(%dma_start3A_261 : memref<10000x128xf32, #tpu.memory_space<hbm>>) target(%arg17 : memref<80x128xf32, #tpu.memory_space<vmem>>) offsets(%arg9 : memref<80xi32, #tpu.memory_space<vmem>>) semaphore(%arg26 : memref<!tpu.dma_semaphore, #tpu.memory_space<semaphore_mem>>)
      } else {
      }
      %dma_wait3A_242 = arith.constant 0 : i32
      %dma_wait3A_243 = arith.constant 0 : i32
      %dma_wait3A_244 = tpu.memref_slice %arg2[%dma_wait3A_242, %dma_wait3A_243] : memref<10000x128xf32, #tpu.memory_space<hbm>> -> memref<80x128xf32, #tpu.memory_space<hbm>>
      %dma_wait3A_245 = arith.constant 0 : i32
      %dma_wait3A_246 = arith.constant 0 : i32
      %dma_wait3A_247 = tpu.memref_slice %arg2[%dma_wait3A_245, %dma_wait3A_246] : memref<10000x128xf32, #tpu.memory_space<hbm>> -> memref<80x128xf32, #tpu.memory_space<hbm>>
      tpu.wait_dma2 semaphore(%arg24 : memref<!tpu.dma_semaphore, #tpu.memory_space<semaphore_mem>>) src(%dma_wait3A_247 : memref<80x128xf32, #tpu.memory_space<hbm>>) dst(%arg15 : memref<80x128xf32, #tpu.memory_space<vmem>>)
      %dma_start3A_248 = arith.constant 0 : i32
      %dma_start3A_249 = arith.constant 0 : i32
      %dma_start3A_250 = tpu.memref_slice %arg19[%dma_start3A_248, %dma_start3A_249] : memref<10000x128xf32, #tpu.memory_space<vmem_shared>> -> memref<10000x128xf32, #tpu.memory_space<vmem_shared>>
      tpu.enqueue_indirect_dma source(%arg15 : memref<80x128xf32, #tpu.memory_space<vmem>>) target(%dma_start3A_250 : memref<10000x128xf32, #tpu.memory_space<vmem_shared>>) offsets(%arg11 : memref<80xi32, #tpu.memory_space<vmem>>) semaphore(%arg28 : memref<!tpu.dma_semaphore, #tpu.memory_space<semaphore_mem>>) {add = true}
    }
    %scan3A_88 = arith.constant 31 : i32
    %dma_wait3A_89 = arith.constant 0 : i32
    %dma_wait3A_90 = arith.constant 0 : i32
    %dma_wait3A_91 = tpu.memref_slice %arg19[%dma_wait3A_89, %dma_wait3A_90] : memref<10000x128xf32, #tpu.memory_space<vmem_shared>> -> memref<80x128xf32, #tpu.memory_space<vmem_shared>>
    %dma_wait3A_92 = arith.constant 0 : i32
    %dma_wait3A_93 = arith.constant 0 : i32
    %dma_wait3A_94 = tpu.memref_slice %arg19[%dma_wait3A_92, %dma_wait3A_93] : memref<10000x128xf32, #tpu.memory_space<vmem_shared>> -> memref<80x128xf32, #tpu.memory_space<vmem_shared>>
    tpu.wait_dma2 semaphore(%arg28 : memref<!tpu.dma_semaphore, #tpu.memory_space<semaphore_mem>>) src(%arg15 : memref<80x128xf32, #tpu.memory_space<vmem>>) dst(%dma_wait3A_94 : memref<80x128xf32, #tpu.memory_space<vmem_shared>>)
    %barrier3A_95 = arith.constant 0 : index
    tpu.barrier barrier_id(%barrier3A_95)
    %lt3A_96 = arith.constant 15 : i32
    %lt3A_97 = arith.cmpi slt, %arg1, %lt3A_96 : i32
    %convert_element_type3A_98 = arith.extui %lt3A_97 : i1 to i32
    %cond3A_99 = arith.constant 0 : i32
    %cond3A_100 = arith.cmpi ne, %convert_element_type3A_98, %cond3A_99 : i32
    scf.if %cond3A_100 {
      %mul3A_106 = arith.constant 632 : i32
      %mul3A_107 = arith.muli %arg1, %mul3A_106 : i32
      %mul3A_108 = arith.constant 632 : i32
      %mul3A_109 = arith.muli %arg1, %mul3A_108 : i32
      "tpu.region"() ({
        %run_scoped3A = tpu.sem_alloc : memref<!tpu.dma_semaphore, #tpu.memory_space<semaphore_mem>>
        %dma_start3A_110 = arith.constant 0 : i32
        %dma_start3A_111 = tpu.memref_slice %arg6[%arg0, %mul3A_109, %dma_start3A_110] : memref<2x10000x128xf32, #tpu.memory_space<hbm>> -> memref<1x632x128xf32, #tpu.memory_space<hbm>>
        %dma_start3A_112 = tpu.memref_squeeze %dma_start3A_111 : memref<1x632x128xf32, #tpu.memory_space<hbm>> -> memref<632x128xf32, #tpu.memory_space<hbm>>
        %dma_start3A_113 = arith.constant 0 : i32
        %dma_start3A_114 = tpu.memref_slice %arg19[%mul3A_107, %dma_start3A_113] : memref<10000x128xf32, #tpu.memory_space<vmem_shared>> -> memref<632x128xf32, #tpu.memory_space<vmem_shared>>
        tpu.enqueue_dma source(%dma_start3A_114 : memref<632x128xf32, #tpu.memory_space<vmem_shared>>) target(%dma_start3A_112 : memref<632x128xf32, #tpu.memory_space<hbm>>) target_semaphore(%run_scoped3A : memref<!tpu.dma_semaphore, #tpu.memory_space<semaphore_mem>>)
        %dma_wait3A_115 = arith.constant 0 : i32
        %dma_wait3A_116 = tpu.memref_slice %arg6[%arg0, %mul3A_109, %dma_wait3A_115] : memref<2x10000x128xf32, #tpu.memory_space<hbm>> -> memref<1x632x128xf32, #tpu.memory_space<hbm>>
        %dma_wait3A_117 = tpu.memref_squeeze %dma_wait3A_116 : memref<1x632x128xf32, #tpu.memory_space<hbm>> -> memref<632x128xf32, #tpu.memory_space<hbm>>
        %dma_wait3A_118 = arith.constant 0 : i32
        %dma_wait3A_119 = tpu.memref_slice %arg19[%mul3A_107, %dma_wait3A_118] : memref<10000x128xf32, #tpu.memory_space<vmem_shared>> -> memref<632x128xf32, #tpu.memory_space<vmem_shared>>
        tpu.wait_dma2 semaphore(%run_scoped3A : memref<!tpu.dma_semaphore, #tpu.memory_space<semaphore_mem>>) src(%dma_wait3A_119 : memref<632x128xf32, #tpu.memory_space<vmem_shared>>) dst(%dma_wait3A_117 : memref<632x128xf32, #tpu.memory_space<hbm>>)
        tpu.yield
      }) : () -> ()
    } else {
    }
    %eq3A_101 = arith.constant 15 : i32
    %eq3A_102 = arith.cmpi eq, %arg1, %eq3A_101 : i32
    %convert_element_type3A_103 = arith.extui %eq3A_102 : i1 to i32
    %cond3A_104 = arith.constant 0 : i32
    %cond3A_105 = arith.cmpi ne, %convert_element_type3A_103, %cond3A_104 : i32
    scf.if %cond3A_105 {
      "tpu.region"() ({
        %run_scoped3A = tpu.sem_alloc : memref<!tpu.dma_semaphore, #tpu.memory_space<semaphore_mem>>
        %dma_start3A_106 = arith.constant 9480 : i32
        %dma_start3A_107 = arith.constant 0 : i32
        %dma_start3A_108 = tpu.memref_slice %arg6[%arg0, %dma_start3A_106, %dma_start3A_107] : memref<2x10000x128xf32, #tpu.memory_space<hbm>> -> memref<1x520x128xf32, #tpu.memory_space<hbm>>
        %dma_start3A_109 = tpu.memref_squeeze %dma_start3A_108 : memref<1x520x128xf32, #tpu.memory_space<hbm>> -> memref<520x128xf32, #tpu.memory_space<hbm>>
        %dma_start3A_110 = arith.constant 9480 : i32
        %dma_start3A_111 = arith.constant 0 : i32
        %dma_start3A_112 = tpu.memref_slice %arg19[%dma_start3A_110, %dma_start3A_111] : memref<10000x128xf32, #tpu.memory_space<vmem_shared>> -> memref<520x128xf32, #tpu.memory_space<vmem_shared>>
        tpu.enqueue_dma source(%dma_start3A_112 : memref<520x128xf32, #tpu.memory_space<vmem_shared>>) target(%dma_start3A_109 : memref<520x128xf32, #tpu.memory_space<hbm>>) target_semaphore(%run_scoped3A : memref<!tpu.dma_semaphore, #tpu.memory_space<semaphore_mem>>)
        %dma_wait3A_113 = arith.constant 9480 : i32
        %dma_wait3A_114 = arith.constant 0 : i32
        %dma_wait3A_115 = tpu.memref_slice %arg6[%arg0, %dma_wait3A_113, %dma_wait3A_114] : memref<2x10000x128xf32, #tpu.memory_space<hbm>> -> memref<1x520x128xf32, #tpu.memory_space<hbm>>
        %dma_wait3A_116 = tpu.memref_squeeze %dma_wait3A_115 : memref<1x520x128xf32, #tpu.memory_space<hbm>> -> memref<520x128xf32, #tpu.memory_space<hbm>>
        %dma_wait3A_117 = arith.constant 9480 : i32
        %dma_wait3A_118 = arith.constant 0 : i32
        %dma_wait3A_119 = tpu.memref_slice %arg19[%dma_wait3A_117, %dma_wait3A_118] : memref<10000x128xf32, #tpu.memory_space<vmem_shared>> -> memref<520x128xf32, #tpu.memory_space<vmem_shared>>
        tpu.wait_dma2 semaphore(%run_scoped3A : memref<!tpu.dma_semaphore, #tpu.memory_space<semaphore_mem>>) src(%dma_wait3A_119 : memref<520x128xf32, #tpu.memory_space<vmem_shared>>) dst(%dma_wait3A_116 : memref<520x128xf32, #tpu.memory_space<hbm>>)
        tpu.yield
      }) : () -> ()
    } else {
    }
    return
  }
}

module attributes {stable_mosaic.version = 14 : i64} {
  func.func @body(%arg0: i32, %arg1: memref<1000x128xf32, #tpu.memory_space<vmem>>, %arg2: memref<1000x128xf32, #tpu.memory_space<vmem>>, %arg3: memref<1000x128xf32, #tpu.memory_space<vmem>>, %arg4: memref<128x128xf32, #tpu.memory_space<vmem>>, %arg5: memref<1x128xf32, #tpu.memory_space<vmem>>, %arg6: memref<1x1xf32, #tpu.memory_space<vmem>>, %arg7: memref<1000x128xf32, #tpu.memory_space<vmem>>) attributes {dimension_semantics = [#tpu.dimension_semantics<arbitrary>], iteration_bounds = array<i64: 10>, scalar_prefetch = 0 : i64, scratch_operands = 0 : i64, tpu.core_type = #tpu.core_type<tc>, window_params = [{transform_indices = @transform_0, window_bounds = array<i64: 1000, 128>}, {transform_indices = @transform_1, window_bounds = array<i64: 1000, 128>}, {transform_indices = @transform_2, window_bounds = array<i64: 1000, 128>}, {pipeline_mode = #tpu.pipeline_mode<synchronous>, transform_indices = @transform_3, window_bounds = array<i64: 128, 128>}, {pipeline_mode = #tpu.pipeline_mode<synchronous>, transform_indices = @transform_4, window_bounds = array<i64: 1, 128>}, {pipeline_mode = #tpu.pipeline_mode<synchronous>, transform_indices = @transform_5, window_bounds = array<i64: 1, 1>}, {transform_indices = @transform_6, window_bounds = array<i64: 1000, 128>}]} {
    %get3A = arith.constant 0 : index
    %get3A_0 = arith.constant 0 : index
    %get3A_1 = vector.load %arg1[%get3A, %get3A_0] : memref<1000x128xf32, #tpu.memory_space<vmem>>, vector<1000x128xf32>
    %get3A_2 = arith.constant 0 : index
    %get3A_3 = arith.constant 0 : index
    %get3A_4 = vector.load %arg2[%get3A_2, %get3A_3] : memref<1000x128xf32, #tpu.memory_space<vmem>>, vector<1000x128xf32>
    %add3A = arith.addf %get3A_1, %get3A_4 : vector<1000x128xf32>
    %get3A_5 = arith.constant 0 : index
    %get3A_6 = arith.constant 0 : index
    %get3A_7 = vector.load %arg6[%get3A_5, %get3A_6] : memref<1x1xf32, #tpu.memory_space<vmem>>, vector<1x1xf32>
    %get3A_8 = vector.extract %get3A_7[0, 0] : f32 from vector<1x1xf32>
    %get3A_9 = arith.constant 0 : index
    %get3A_10 = arith.constant 0 : index
    %get3A_11 = vector.load %arg3[%get3A_9, %get3A_10] : memref<1000x128xf32, #tpu.memory_space<vmem>>, vector<1000x128xf32>
    %mul3A = vector.broadcast %get3A_8 : f32 to vector<1000x128xf32>
    %mul3A_12 = arith.mulf %mul3A, %get3A_11 : vector<1000x128xf32>
    %add3A_13 = arith.addf %add3A, %mul3A_12 : vector<1000x128xf32>
    %get3A_14 = arith.constant 0 : index
    %get3A_15 = arith.constant 0 : index
    %get3A_16 = vector.load %arg4[%get3A_14, %get3A_15] : memref<128x128xf32, #tpu.memory_space<vmem>>, vector<128x128xf32>
    %dot_general3A = arith.constant dense<0.000000e+00> : vector<1000x128xf32>
    %dot_general3A_17 = tpu.matmul %add3A_13, %get3A_16, %dot_general3A {dimension_numbers = #tpu.dot_dimension_numbers<[1], [0], [0], [1], [0, 0, 1, 1], [], []>, transpose_lhs_hint = false} : vector<1000x128xf32>, vector<128x128xf32>, vector<1000x128xf32> -> vector<1000x128xf32>
    %get3A_18 = arith.constant 0 : index
    %get3A_19 = arith.constant 0 : index
    %get3A_20 = vector.load %arg5[%get3A_18, %get3A_19] : memref<1x128xf32, #tpu.memory_space<vmem>>, vector<1x128xf32>
    %add3A_21 = vector.broadcast %get3A_20 : vector<1x128xf32> to vector<1000x128xf32>
    %add3A_22 = arith.addf %dot_general3A_17, %add3A_21 : vector<1000x128xf32>
    %logistic3A = arith.negf %add3A_22 : vector<1000x128xf32>
    %logistic3A_23 = math.exp %logistic3A : vector<1000x128xf32>
    %logistic3A_24 = arith.constant 1.000000e+00 : f32
    %logistic3A_25 = vector.broadcast %logistic3A_24 : f32 to vector<1000x128xf32>
    %logistic3A_26 = arith.addf %logistic3A_25, %logistic3A_23 : vector<1000x128xf32>
    %logistic3A_27 = arith.divf %logistic3A_25, %logistic3A_26 : vector<1000x128xf32>
    %swap3A = arith.constant 0 : index
    %swap3A_28 = arith.constant 0 : index
    %swap3A_29 = vector.load %arg7[%swap3A, %swap3A_28] : memref<1000x128xf32, #tpu.memory_space<vmem>>, vector<1000x128xf32>
    tpu.vector_store %arg7[%swap3A, %swap3A_28], %logistic3A_27 {strides = array<i32>} : memref<1000x128xf32, #tpu.memory_space<vmem>>, vector<1000x128xf32>,
    return
  }
  func.func @transform_0(%arg0: i32) -> (i32, i32) {
    %c0_i32 = arith.constant 0 : i32
    %c0_i32_0 = arith.constant 0 : i32
    return %arg0, %c0_i32 : i32, i32
  }
  func.func @transform_1(%arg0: i32) -> (i32, i32) {
    %c0_i32 = arith.constant 0 : i32
    %c0_i32_0 = arith.constant 0 : i32
    return %arg0, %c0_i32 : i32, i32
  }
  func.func @transform_2(%arg0: i32) -> (i32, i32) {
    %c0_i32 = arith.constant 0 : i32
    %c0_i32_0 = arith.constant 0 : i32
    return %arg0, %c0_i32 : i32, i32
  }
  func.func @transform_3(%arg0: i32) -> (i32, i32) {
    %c0_i32 = arith.constant 0 : i32
    %c0_i32_0 = arith.constant 0 : i32
    %c0_i32_1 = arith.constant 0 : i32
    return %c0_i32, %c0_i32_0 : i32, i32
  }
  func.func @transform_4(%arg0: i32) -> (i32, i32) {
    %c0_i32 = arith.constant 0 : i32
    %c0_i32_0 = arith.constant 0 : i32
    %c0_i32_1 = arith.constant 0 : i32
    return %c0_i32, %c0_i32_0 : i32, i32
  }
  func.func @transform_5(%arg0: i32) -> (i32, i32) {
    %c0_i32 = arith.constant 0 : i32
    %c0_i32_0 = arith.constant 0 : i32
    %c0_i32_1 = arith.constant 0 : i32
    return %c0_i32, %c0_i32_0 : i32, i32
  }
  func.func @transform_6(%arg0: i32) -> (i32, i32) {
    %c0_i32 = arith.constant 0 : i32
    %c0_i32_0 = arith.constant 0 : i32
    return %arg0, %c0_i32 : i32, i32
  }
}

module attributes {stable_mosaic.version = 14 : i64} {
  func.func @body(%arg0: i32, %arg1: memref<1000x128xf32, #tpu.memory_space<vmem>>, %arg2: memref<1000x128xf32, #tpu.memory_space<vmem>>, %arg3: memref<1000x128xf32, #tpu.memory_space<vmem>>, %arg4: memref<128x128xf32, #tpu.memory_space<vmem>>, %arg5: memref<1x128xf32, #tpu.memory_space<vmem>>, %arg6: memref<1x1xf32, #tpu.memory_space<vmem>>, %arg7: memref<1x128xf32, #tpu.memory_space<vmem>>, %arg8: memref<1x1xf32, #tpu.memory_space<vmem>>, %arg9: memref<1x1xf32, #tpu.memory_space<vmem>>, %arg10: memref<1x128xf32, #tpu.memory_space<vmem>>) attributes {dimension_semantics = [#tpu.dimension_semantics<arbitrary>], iteration_bounds = array<i64: 10>, scalar_prefetch = 0 : i64, scratch_operands = 0 : i64, tpu.core_type = #tpu.core_type<tc>, window_params = [{transform_indices = @transform_0, window_bounds = array<i64: 1000, 128>}, {transform_indices = @transform_1, window_bounds = array<i64: 1000, 128>}, {transform_indices = @transform_2, window_bounds = array<i64: 1000, 128>}, {pipeline_mode = #tpu.pipeline_mode<synchronous>, transform_indices = @transform_3, window_bounds = array<i64: 128, 128>}, {pipeline_mode = #tpu.pipeline_mode<synchronous>, transform_indices = @transform_4, window_bounds = array<i64: 1, 128>}, {pipeline_mode = #tpu.pipeline_mode<synchronous>, transform_indices = @transform_5, window_bounds = array<i64: 1, 1>}, {pipeline_mode = #tpu.pipeline_mode<synchronous>, transform_indices = @transform_6, window_bounds = array<i64: 1, 128>}, {pipeline_mode = #tpu.pipeline_mode<synchronous>, transform_indices = @transform_7, window_bounds = array<i64: 1, 1>}, {pipeline_mode = #tpu.pipeline_mode<synchronous>, transform_indices = @transform_8, window_bounds = array<i64: 1, 1>}, {pipeline_mode = #tpu.pipeline_mode<synchronous>, transform_indices = @transform_9, window_bounds = array<i64: 1, 128>}]} {
    %get3A = arith.constant 0 : index
    %get3A_0 = arith.constant 0 : index
    %get3A_1 = vector.load %arg1[%get3A, %get3A_0] : memref<1000x128xf32, #tpu.memory_space<vmem>>, vector<1000x128xf32>
    %get3A_2 = arith.constant 0 : index
    %get3A_3 = arith.constant 0 : index
    %get3A_4 = vector.load %arg2[%get3A_2, %get3A_3] : memref<1000x128xf32, #tpu.memory_space<vmem>>, vector<1000x128xf32>
    %add3A = arith.addf %get3A_1, %get3A_4 : vector<1000x128xf32>
    %get3A_5 = arith.constant 0 : index
    %get3A_6 = arith.constant 0 : index
    %get3A_7 = vector.load %arg6[%get3A_5, %get3A_6] : memref<1x1xf32, #tpu.memory_space<vmem>>, vector<1x1xf32>
    %get3A_8 = vector.extract %get3A_7[0, 0] : f32 from vector<1x1xf32>
    %get3A_9 = arith.constant 0 : index
    %get3A_10 = arith.constant 0 : index
    %get3A_11 = vector.load %arg3[%get3A_9, %get3A_10] : memref<1000x128xf32, #tpu.memory_space<vmem>>, vector<1000x128xf32>
    %mul3A = vector.broadcast %get3A_8 : f32 to vector<1000x128xf32>
    %mul3A_12 = arith.mulf %mul3A, %get3A_11 : vector<1000x128xf32>
    %add3A_13 = arith.addf %add3A, %mul3A_12 : vector<1000x128xf32>
    %get3A_14 = arith.constant 0 : index
    %get3A_15 = arith.constant 0 : index
    %get3A_16 = vector.load %arg4[%get3A_14, %get3A_15] : memref<128x128xf32, #tpu.memory_space<vmem>>, vector<128x128xf32>
    %dot_general3A = arith.constant dense<0.000000e+00> : vector<1000x128xf32>
    %dot_general3A_17 = tpu.matmul %add3A_13, %get3A_16, %dot_general3A {dimension_numbers = #tpu.dot_dimension_numbers<[1], [0], [0], [1], [0, 0, 1, 1], [], []>, transpose_lhs_hint = false} : vector<1000x128xf32>, vector<128x128xf32>, vector<1000x128xf32> -> vector<1000x128xf32>
    %get3A_18 = arith.constant 0 : index
    %get3A_19 = arith.constant 0 : index
    %get3A_20 = vector.load %arg5[%get3A_18, %get3A_19] : memref<1x128xf32, #tpu.memory_space<vmem>>, vector<1x128xf32>
    %add3A_21 = vector.broadcast %get3A_20 : vector<1x128xf32> to vector<1000x128xf32>
    %add3A_22 = arith.addf %dot_general3A_17, %add3A_21 : vector<1000x128xf32>
    %logistic3A = arith.negf %add3A_22 : vector<1000x128xf32>
    %logistic3A_23 = math.exp %logistic3A : vector<1000x128xf32>
    %logistic3A_24 = arith.constant 1.000000e+00 : f32
    %logistic3A_25 = vector.broadcast %logistic3A_24 : f32 to vector<1000x128xf32>
    %logistic3A_26 = arith.addf %logistic3A_25, %logistic3A_23 : vector<1000x128xf32>
    %logistic3A_27 = arith.divf %logistic3A_25, %logistic3A_26 : vector<1000x128xf32>
    %eq3A = arith.constant 0 : i32
    %eq3A_28 = arith.cmpi eq, %arg0, %eq3A : i32
    %convert_element_type3A = arith.extui %eq3A_28 : i1 to i32
    %cond3A = arith.constant 0 : i32
    %cond3A_29 = arith.cmpi ne, %convert_element_type3A, %cond3A : i32
    scf.if %cond3A_29 {
      %broadcast_in_dim3A_42 = arith.constant 0.000000e+00 : f32
      %broadcast_in_dim3A_43 = vector.broadcast %broadcast_in_dim3A_42 : f32 to vector<1x128xf32>
      %swap3A_44 = arith.constant 0 : index
      %swap3A_45 = arith.constant 0 : index
      %swap3A_46 = vector.load %arg10[%swap3A_44, %swap3A_45] : memref<1x128xf32, #tpu.memory_space<vmem>>, vector<1x128xf32>
      tpu.vector_store %arg10[%swap3A_44, %swap3A_45], %broadcast_in_dim3A_43 {strides = array<i32>} : memref<1x128xf32, #tpu.memory_space<vmem>>, vector<1x128xf32>,
    } else {
    }
    %get3A_30 = arith.constant 0 : index
    %get3A_31 = arith.constant 0 : index
    %get3A_32 = vector.load %arg10[%get3A_30, %get3A_31] : memref<1x128xf32, #tpu.memory_space<vmem>>, vector<1x128xf32>
    %reduce_sum3A = arith.constant dense<0.000000e+00> : vector<128xf32>
    %reduce_sum3A_33 = vector.multi_reduction <add>, %logistic3A_27, %reduce_sum3A [0] : vector<1000x128xf32> to vector<128xf32>
    %broadcast_in_dim3A = vector.shape_cast %reduce_sum3A_33 : vector<128xf32> to vector<1x128xf32>
    %add3A_34 = arith.addf %get3A_32, %broadcast_in_dim3A : vector<1x128xf32>
    %swap3A = arith.constant 0 : index
    %swap3A_35 = arith.constant 0 : index
    %swap3A_36 = vector.load %arg10[%swap3A, %swap3A_35] : memref<1x128xf32, #tpu.memory_space<vmem>>, vector<1x128xf32>
    tpu.vector_store %arg10[%swap3A, %swap3A_35], %add3A_34 {strides = array<i32>} : memref<1x128xf32, #tpu.memory_space<vmem>>, vector<1x128xf32>,
    %eq3A_37 = arith.constant 9 : i32
    %eq3A_38 = arith.cmpi eq, %arg0, %eq3A_37 : i32
    %convert_element_type3A_39 = arith.extui %eq3A_38 : i1 to i32
    %cond3A_40 = arith.constant 0 : i32
    %cond3A_41 = arith.cmpi ne, %convert_element_type3A_39, %cond3A_40 : i32
    scf.if %cond3A_41 {
      %get3A_42 = arith.constant 0 : index
      %get3A_43 = arith.constant 0 : index
      %get3A_44 = vector.load %arg10[%get3A_42, %get3A_43] : memref<1x128xf32, #tpu.memory_space<vmem>>, vector<1x128xf32>
      %get3A_45 = arith.constant 0 : index
      %get3A_46 = arith.constant 0 : index
      %get3A_47 = vector.load %arg7[%get3A_45, %get3A_46] : memref<1x128xf32, #tpu.memory_space<vmem>>, vector<1x128xf32>
      %mul3A_48 = arith.mulf %get3A_44, %get3A_47 : vector<1x128xf32>
      %reduce_sum3A_49 = arith.constant dense<0.000000e+00> : vector<1xf32>
      %reduce_sum3A_50 = vector.multi_reduction <add>, %mul3A_48, %reduce_sum3A_49 [1] : vector<1x128xf32> to vector<1xf32>
      %broadcast_in_dim3A_51 = vector.shape_cast %reduce_sum3A_50 : vector<1xf32> to vector<1x1xf32>
      %get3A_52 = arith.constant 0 : index
      %get3A_53 = arith.constant 0 : index
      %get3A_54 = vector.load %arg8[%get3A_52, %get3A_53] : memref<1x1xf32, #tpu.memory_space<vmem>>, vector<1x1xf32>
      %add3A_55 = arith.addf %broadcast_in_dim3A_51, %get3A_54 : vector<1x1xf32>
      %swap3A_56 = arith.constant 0 : index
      %swap3A_57 = arith.constant 0 : index
      %swap3A_58 = vector.load %arg9[%swap3A_56, %swap3A_57] : memref<1x1xf32, #tpu.memory_space<vmem>>, vector<1x1xf32>
      tpu.vector_store %arg9[%swap3A_56, %swap3A_57], %add3A_55 {strides = array<i32>} : memref<1x1xf32, #tpu.memory_space<vmem>>, vector<1x1xf32>,
    } else {
    }
    return
  }
  func.func @transform_0(%arg0: i32) -> (i32, i32) {
    %c0_i32 = arith.constant 0 : i32
    %c0_i32_0 = arith.constant 0 : i32
    return %arg0, %c0_i32 : i32, i32
  }
  func.func @transform_1(%arg0: i32) -> (i32, i32) {
    %c0_i32 = arith.constant 0 : i32
    %c0_i32_0 = arith.constant 0 : i32
    return %arg0, %c0_i32 : i32, i32
  }
  func.func @transform_2(%arg0: i32) -> (i32, i32) {
    %c0_i32 = arith.constant 0 : i32
    %c0_i32_0 = arith.constant 0 : i32
    return %arg0, %c0_i32 : i32, i32
  }
  func.func @transform_3(%arg0: i32) -> (i32, i32) {
    %c0_i32 = arith.constant 0 : i32
    %c0_i32_0 = arith.constant 0 : i32
    %c0_i32_1 = arith.constant 0 : i32
    return %c0_i32, %c0_i32_0 : i32, i32
  }
  func.func @transform_4(%arg0: i32) -> (i32, i32) {
    %c0_i32 = arith.constant 0 : i32
    %c0_i32_0 = arith.constant 0 : i32
    %c0_i32_1 = arith.constant 0 : i32
    return %c0_i32, %c0_i32_0 : i32, i32
  }
  func.func @transform_5(%arg0: i32) -> (i32, i32) {
    %c0_i32 = arith.constant 0 : i32
    %c0_i32_0 = arith.constant 0 : i32
    %c0_i32_1 = arith.constant 0 : i32
    return %c0_i32, %c0_i32_0 : i32, i32
  }
  func.func @transform_6(%arg0: i32) -> (i32, i32) {
    %c0_i32 = arith.constant 0 : i32
    %c0_i32_0 = arith.constant 0 : i32
    %c0_i32_1 = arith.constant 0 : i32
    return %c0_i32, %c0_i32_0 : i32, i32
  }
  func.func @transform_7(%arg0: i32) -> (i32, i32) {
    %c0_i32 = arith.constant 0 : i32
    %c0_i32_0 = arith.constant 0 : i32
    %c0_i32_1 = arith.constant 0 : i32
    return %c0_i32, %c0_i32_0 : i32, i32
  }
  func.func @transform_8(%arg0: i32) -> (i32, i32) {
    %c0_i32 = arith.constant 0 : i32
    %c0_i32_0 = arith.constant 0 : i32
    %c0_i32_1 = arith.constant 0 : i32
    return %c0_i32, %c0_i32_0 : i32, i32
  }
  func.func @transform_9(%arg0: i32) -> (i32, i32) {
    %c0_i32 = arith.constant 0 : i32
    %c0_i32_0 = arith.constant 0 : i32
    %c0_i32_1 = arith.constant 0 : i32
    return %c0_i32, %c0_i32_0 : i32, i32
  }
}

</mosaic_0001>

<sc_bundles>
// kernel: kernel.6.cloned.1.call-start
scs
__scs_entry_jumppad:
0x0: {  	(pc) =	sbr.rel $0x88, $3  }
0x1: {  	(tag) =	ssettag $0x0;
	lr =	simm.s32 $0x1  }
0x2: {  	[smem:$0x3F97] =	sst lr;
	_ =	strace $0xD0000000  }
0x3: {  	_ = 	snop  }
0x4: {  	_ = 	snop  }
0x5: {  	_ = 	snop  }
0x6: {  	_ = 	snop  }
0x7: {  	_ = 	snop  }
__scs_overlays_trampoline_lowered:
0x8: {  	[smem:$0x3FA6] =	sst s0  }
0x9: {  	[smem:$0x3FA7] =	sst s1  }
0xa: {  	[smem:$0x3FA8] =	sst s2  }
0xb: {  	[smem:$0x3FA9] =	sst s3  }
0xc: {  	[smem:$0x3FAA] =	sst s4  }
0xd: {  	[smem:$0x3FAB] =	sst s5  }
0xe: {  	[smem:$0x3FAC] =	sst s6  }
0xf: {  	[smem:$0x3FAD] =	sst s7  }
0x10: {  	[smem:$0x3FAE] =	sst s8  }
0x11: {  	[smem:$0x3FAF] =	sst s9;
	s0 =	simm.s32 @!p0 $0x0  }
0x12: {  	s1 =	sld [smem:$0x3F95];
	s0 =	simm.s32 @p0 $0x1  }
0x13: {  	[smem:$0x3FB0] =	sst s0;
	s0 =	simm.s32 @!p1 $0x0  }
0x14: {  	s2 =	sld [smem:$0x3F94];
	s0 =	simm.s32 @p1 $0x1  }
0x15: {  	[smem:$0x3FB1] =	sst s0;
	s0 =	simm.s32 @!p2 $0x0  }
0x16: {  	s3 =	sld [smem:$0x3FDB];
	s0 =	simm.s32 @p2 $0x1  }
0x17: {  	s4 =	simm.s32 $0x1BF5;
	[smem:$0x3FB3] =	sst s0  }
0x18: {  	s0 =	sld [smem:$0x3F96];
	_ =	swait.ge [sflag:s4], $0x0  }
0x19: {  	s7 =	sld [smem:$0x3F97]  }
0x1a: {  	s8 =	sadd.s32 $0xFFFFE003, lr  }
0x1b: {  	s9 =	sadd.s32 $0xFFFFFEF7, lr;
	s5 =	simm.s32 $0xFFFFFFFF;
	p2 =	slt.u32 s8, $0xFFFFF086  }
0x1c: {  	p1 =	slt.u32 s9, $0xF7A;
	s5 =	simm.s32 @!p2 $0x0  }
0x1d: {  	s5 =	simm.s32 @p1 $0x1;
	p0 =	seq.s32 s7, s2  }
0x1e: {  	s7 =	smul.u32 @!p0 $0xF7A, s2;
	p2 =	seq.s32 @!p0 s5, $0x0  }
0x1f: {  	s9 =	smul.u32 $0xF7A, s1;
	s8 =	simm.s32 @!p0 $0x1BF5;
	p2 =	por !p2, p0  }
0x20: {  	[sflag:s8] =	ssyncset.s32 @!p0 $0xFFFFF086;
	s6 =	sadd.s32 @!p0 s3, s7;
	s7 =	simm.s32 @!p0 $0x108  }
0x21: {  	s3 =	sadd.s32 s3, s9;
	s6 =	sadd.s32 @!p0 $0x88, s6;
	s7 =	simm.s32 @p2 $0x1082  }
0x22: {  	[simem:s7], [sflag:s8] =	dma.local @!p0 [hbm:s6], $0xF7A  }
0x23: {  	s9 =	sor.u32 $0xD0000000, s2;
	s6 =	simm.s32 $0x108;
	_ =	swait.ge @!p0 [sflag:s8], $0x0  }
0x24: {  	s3 =	sadd.s32 $0x88, s3;
	s6 =	simm.s32 @!p1 $0x1082;
	[sflag:s4] =	ssyncset.s32 $0xFFFFF086  }
0x25: {  	[simem:s6], [sflag:s4] =	dma.local [hbm:s3], $0xF7A  }
0x26: {  	[smem:$0x3F97] =	sst s1;
	(tag) =	ssettag s2;
	_ =	strace s9  }
0x27: {  	s1 =	sld [smem:$0x3FA7]  }
0x28: {  	s2 =	sld [smem:$0x3FA8]  }
0x29: {  	s4 =	sld [smem:$0x3FAA]  }
0x2a: {  	p0 =	seq.s32 s5, $0x0;
	s5 =	sld [smem:$0x3FAB]  }
0x2b: {  	s6 =	sld [smem:$0x3FAC]  }
0x2c: {  	s7 =	sld [smem:$0x3FAD]  }
0x2d: {  	s3 =	simm.s32 $0x108;
	s8 =	sld [smem:$0x3FAE]  }
0x2e: {  	s3 =	simm.s32 @!p0 $0x1082;
	s9 =	sld [smem:$0x3FAF]  }
0x2f: {  	lr =	sadd.s32 s0, s3;
	s0 =	sld [smem:$0x3FA6]  }
0x30: {  	s3 =	sld [smem:$0x3FA9]  }
0x31: {  	[smem:$0x3FB2] =	sst s10  }
0x32: {  	s10 =	sld [smem:$0x3FB0];
	_ =	sdelay $0x3  }
0x33: {  	p0 =	seq.s32 s10, $0x1;
	s10 =	sld [smem:$0x3FB2];
	_ =	sdelay $0x3  }
0x34: {  	[smem:$0x3FB2] =	sst s10  }
0x35: {  	s10 =	sld [smem:$0x3FB1];
	_ =	sdelay $0x3  }
0x36: {  	p1 =	seq.s32 s10, $0x1;
	s10 =	sld [smem:$0x3FB2];
	_ =	sdelay $0x3  }
0x37: {  	[smem:$0x3FB2] =	sst s10  }
0x38: {  	s10 =	sld [smem:$0x3FB3]  }
0x39: {  	_ = 	snop;
	(pc) =	sbr.ind lr, $3  }
0x3a: {  	_ = 	snop  }
0x3b: {  	_ = 	snop  }
0x3c: {  	p2 =	seq.s32 s10, $0x1;
	s10 =	sld [smem:$0x3FB2]  }
0x3d: {  	_ =	shalt  }
0x3e: {  	_ =	shalt  }
0x3f: {  	_ =	shalt  }
0x40: {  	_ =	shalt  }
0x41: {  	_ =	shalt  }
0x42: {  	_ =	shalt  }
0x43: {  	_ =	shalt  }
0x44: {  	_ =	shalt  }
0x45: {  	_ =	shalt  }
0x46: {  	_ =	shalt  }
0x47: {  	_ =	shalt  }
0x48: {  	_ =	shalt  }
0x49: {  	_ =	shalt  }
0x4a: {  	_ =	shalt  }
0x4b: {  	_ =	shalt  }
0x4c: {  	_ =	shalt  }
0x4d: {  	_ =	shalt  }
0x4e: {  	_ =	shalt  }
0x4f: {  	_ =	shalt  }
0x50: {  	_ =	shalt  }
0x51: {  	_ =	shalt  }
0x52: {  	_ =	shalt  }
0x53: {  	_ =	shalt  }
0x54: {  	_ =	shalt  }
0x55: {  	_ =	shalt  }
0x56: {  	_ =	shalt  }
0x57: {  	_ =	shalt  }
0x58: {  	_ =	shalt  }
0x59: {  	_ =	shalt  }
0x5a: {  	_ =	shalt  }
0x5b: {  	_ =	shalt  }
0x5c: {  	_ =	shalt  }
0x5d: {  	_ =	shalt  }
0x5e: {  	_ =	shalt  }
0x5f: {  	_ =	shalt  }
0x60: {  	_ =	shalt  }
0x61: {  	_ =	shalt  }
0x62: {  	_ =	shalt  }
0x63: {  	_ =	shalt  }
0x64: {  	_ =	shalt  }
0x65: {  	_ =	shalt  }
0x66: {  	_ =	shalt  }
0x67: {  	_ =	shalt  }
0x68: {  	_ =	shalt  }
0x69: {  	_ =	shalt  }
0x6a: {  	_ =	shalt  }
0x6b: {  	_ =	shalt  }
0x6c: {  	_ =	shalt  }
0x6d: {  	_ =	shalt  }
0x6e: {  	_ =	shalt  }
0x6f: {  	_ =	shalt  }
0x70: {  	_ =	shalt  }
0x71: {  	_ =	shalt  }
0x72: {  	_ =	shalt  }
0x73: {  	_ =	shalt  }
0x74: {  	_ =	shalt  }
0x75: {  	_ =	shalt  }
0x76: {  	_ =	shalt  }
0x77: {  	_ =	shalt  }
0x78: {  	_ =	shalt  }
0x79: {  	_ =	shalt  }
0x7a: {  	_ =	shalt  }
0x7b: {  	_ =	shalt  }
0x7c: {  	_ =	shalt  }
0x7d: {  	_ =	shalt  }
0x7e: {  	_ =	shalt  }
0x7f: {  	_ =	shalt  }
0x80: {  	_ =	shalt  }
0x81: {  	_ =	shalt  }
0x82: {  	_ =	shalt  }
0x83: {  	_ =	shalt  }
0x84: {  	_ =	shalt  }
0x85: {  	_ =	shalt  }
0x86: {  	_ =	shalt  }
0x87: {  	_ =	shalt  }
.Lfunc_end0:
.L_simem_size_0:
called_computation_lowered:
.L_overlay_start_0:
0x88: {  	s2 =	sld [smem:$0x3FD9]  }
0x89: {  	s3 =	sld [smem:$0x3FFE];
	_ =	sdelay $0x1  }
0x8a: {  	s1 =	srdreg.scid  }
0x8b: {  	s0 =	sand.u32 $0x1, s1  }
0x8c: {  	s17 =	sshll.u32 s0, $0xA;
	s2 =	sadd.s32 s3, s2  }
0x8d: {  	s2 =	sadd.s32 s2, s17  }
0x8e: {  	[smem:$0x3FBE] =	sst s2  }
0x8f: {  	_ = 	snop  }
0x90: {  	s2 =	sld [smem:$0x3FC9];
	(tm) =	ssettm $0x1  }
0x91: {  	s18 =	sld [smem:$0x3FFB];
	_ =	sdelay $0x3  }
0x92: {  	_ =	strace s18  }
0x93: {  	s3 =	sld [smem:$0x3FFC];
	_ =	sdelay $0x3  }
0x94: {  	_ =	strace s3  }
0x95: {  	s3 =	sld [smem:$0x3FFD];
	_ =	sdelay $0x3  }
0x96: {  	_ =	strace s3  }
0x97: {  	_ =	strace $0x8FFFFFFF  }
0x98: {  	s19 =	sld [smem:$0x3FDB];
	_ =	sdelay $0x1  }
0x99: {  	s4 =	simm.s32 $_scs_section_size  }
0x9a: {  	s5 =	simm.s32 $_size__tile_overlayer_lowered;
	s6 =	simm.s32 $_tile_overlayer_lowered  }
0x9b: {  	s22 =	simm.s32 $0x1BFF;
	s21 =	sshll.u32 s6, $0x1;
	s3 =	sadd.s32 s4, s19  }
0x9c: {  	s7 =	simm.s32 $0x0;
	s20 =	sshll.u32 s5, $0x1;
	s5 =	sadd.s32 s21, s3  }
0x9d: {  	[timem:s7], [sflag:s22] =	dma.local [hbm:s5], s20  }
0x9e: {  	_ =	swait.ge [sflag:s22], s20  }
0x9f: {  	s4 =	ssub.s32 $0x0, s20;
	[sflag:s22] =	ssyncset.done $0x0  }
0xa0: {  	[sflag:s22] =	ssyncadd.s32 s4;
	_ =	sdelay $0x1  }
0xa1: {  	s23 =	simm.s32 $0x1B8B  }
0xa2: {  	_ =	swait.ge [sflag:s23], $0x1  }
0xa3: {  	[sflag:s23] =	ssyncset.done $0x0  }
0xa4: {  	s25 =	simm.s32 $0x1B8E;
	s24 =	sld [smem:$0x3FFE];
	[sflag:s23] =	ssyncadd.s32 $0xFFFFFFFF  }
0xa5: {  	s26 =	simm.s32 $execute0_lowered;
	[smem:$0x3FD2] =	sst s25  }
0xa6: {  	s5 =	sshll.u32 s26, $0x1;
	_ =	strace $0x80000046;
	[dreg:$0x1] =	wrdreg $0xFFFFFFFF  }
0xa7: {  	s28 =	simm.s32 $_size_execute0_lowered;
	s3 =	sadd.s32 s3, s5;
	[dreg:$0x0] =	wrdreg $0x0  }
0xa8: {  	s5 =	sshll.u32 s28, $0x1;
	[dreg:$0x2] =	wrdreg s3  }
0xa9: {  	[dreg:$0x3] =	wrdreg s5  }
0xaa: {  	[dreg:$0x4] =	wrdreg $0xC0  }
0xab: {  	_ =	task [dreg:s7], $0x5FFFF  }
0xac: {  	[dreg:$0x1] =	wrdreg $0xFFFFFFFF  }
0xad: {  	[dreg:$0x0] =	wrdreg $0x60  }
0xae: {  	[dreg:$0x2] =	wrdreg s2  }
0xaf: {  	[dreg:$0x3] =	wrdreg s24  }
0xb0: {  	[dreg:$0x4] =	wrdreg $0xA4000  }
0xb1: {  	[dreg:$0x5] =	wrdreg $0x9  }
0xb2: {  	_ =	task.clear_ibuf [dreg:s7], $0x6FFFF;
	_ =	strace $0x90000046  }
0xb3: {  	s29 =	simm.s32 $0x9;
	_ =	strace $0x80000048  }
0xb4: {  	_ =	swait.ge [sflag:s29], $0x1  }
0xb5: {  	[sflag:s29] =	ssyncadd.s32 $0xFFFFFFFF  }
0xb6: {  	_ =	strace $0x90000048  }
0xb7: {  	_ =	sfence  }
0xb8: {  	s30 =	sld [smem:$0x0];
	_ =	sdelay $0x2  }
0xb9: {  	s31 =	sshll.u32 s1, $0xD;
	s1 =	sshrl.u32 s1, $0x2  }
0xba: {  	s3 =	sand.u32 $0x4000, s31;
	s1 =	sadd.s32 s1, s30  }
0xbb: {  	s0 =	sor.u32 s3, s0;
	s1 =	sshll.u32 s1, $0x11  }
0xbc: {  	s0 =	sor.u32 s1, s0  }
0xbd: {  	s0 =	sadd.s32 $0x8F2B, s0  }
0xbe: {  	[sflag:s0] =	ssyncadd.remote.s32 $0x1  }
0xbf: {  	_ =	sfence.sel $0xFFFF  }
0xc0: {  	[dreg:$0x0] =	wrdreg $0xFFFFFFFF;
	(pc) =	sbr.abs _section_cstart, $3  }
0xc1: {  	[dreg:$0x1] =	wrdreg $0xFFFFFFFF  }
0xc2: {  	_ =	task.clear_ibuf [dreg:s7], $0x2FFFF;
	_ =	strace $0x9FFFFFFF  }
0xc3: {  	(tm) =	ssettm $0x7FFFFFFF  }
tec
execute0_lowered:
.L_overlay_start_1:
0x0: {  	(tag) =	ssettag $0x1  }
0x1: {  	s1 =	rddreg [dreg:$0x0]  }
0x2: {  	s0 =	rddreg [dreg:$0x1]  }
0x3: {  	s2 =	rddreg [dreg:$0x2];
	s3 =	simm.s32 $0x0;
	s4 =	srdreg.scid  }
0x4: {  	s13 =	stileid.u32;
	s28 =	simm.s32 $0x1;
	s29 =	simm.s32 $0x50  }
0x5: {  	s30 =	simm.s32 $0x400;
	[smem:$0x7FF] =	sst s3;
	s5 =	sadd.s32 $0xBE00, s0  }
0x6: {  	s4 =	sand.u32 $0x1, s4;
	s6 =	sadd.s32 $0x2000, s0;
	s8 =	smul.u32 $0x4F000, s13  }
0x7: {  	s9 =	sadd.s32 $0x15C00, s0;
	s0 =	sadd.s32 $0x18400, s0;
	s11 =	smul.u32 $0x13C00, s13  }
0x8: {  	s19 =	sadd.s32 $0x128400, s2;
	s25 =	smul.u32 $0x2710, s13;
	p0 =	seq.s32 s13, $0xF  }
0x9: {  	_ =	strace $0x80000047;
	s7 =	sshll.u32 s4, $0x4;
	[dreg:$0xb] =	wrdreg s9  }
0xa: {  	s18 =	ssub.s32 $0x2, s4;
	[dreg:$0xd] =	wrdreg s19;
	s20 =	smul.u32 $0x138800, s4  }
0xb: {  	s4 =	smul.u32 $0x27100, s4;
	s7 =	sor.u32 s13, s7;
	s10 =	sshrl.u32 s18, $0x1  }
0xc: {  	s8 =	sshrl.u32 s8, $0x2;
	s13 =	simm.s32 $0x6;
	s7 =	smul.u32 $0x2710, s7  }
0xd: {  	s9 =	ssub.s32 s18, s10;
	s8 =	sadd.s32 s8, s2;
	s31 =	sadd.s32 s11, s20  }
0xe: {  	s4 =	sadd.s32 s25, s4;
	[dreg:$0xc] =	wrdreg s8;
	s7 =	sshrl.u32 s7, $0x3  }
0xf: {  	s11 =	sadd.s32 $0x230, s4;
	s16 =	sadd.s32 $0x1E0, s4;
	s21 =	sadd.s32 s5, s7  }
0x10: {  	s18 =	sshrl.u32 s16, $0x3;
	s12 =	sadd.s32 s6, s7;
	[dreg:$0xe] =	wrdreg s21  }
0x11: {  	s22 =	sadd.s32 $0xA, s7;
	s19 =	sadd.s32 s18, s6;
	[dreg:$0xf] =	wrdreg s12  }
0x12: {  	s16 =	simm.s32 $0xB;
	s23 =	sadd.s32 s5, s22;
	[dreg:$0x6] =	wrdreg s19  }
0x13: {  	s24 =	sadd.s32 $0x14, s7;
	s10 =	sadd.s32 s6, s22;
	[dreg:$0x10] =	wrdreg s23  }
0x14: {  	s7 =	sadd.s32 $0x1E, s7;
	s14 =	sadd.s32 s5, s24;
	[dreg:$0x11] =	wrdreg s10  }
0x15: {  	s26 =	sadd.s32 s5, s7;
	s7 =	sadd.s32 s6, s7;
	[dreg:$0x12] =	wrdreg s14  }
0x16: {  	s12 =	sshrl.u32 s20, $0x3;
	s20 =	sadd.s32 $0x190, s4;
	[dreg:$0x14] =	wrdreg s26  }
0x17: {  	s21 =	sadd.s32 s18, s5;
	s10 =	sadd.s32 s6, s24;
	[dreg:$0x15] =	wrdreg s7  }
0x18: {  	s14 =	sshrl.u32 s11, $0x3;
	s22 =	sshrl.u32 s20, $0x3;
	[dreg:$0x7] =	wrdreg s21  }
0x19: {  	s24 =	smax.u32 s9, $0x1;
	s26 =	sadd.s32 $0x140, s4;
	s4 =	simm.s32 $0x180  }
0x1a: {  	s9 =	simm.s32 $0x5400;
	s11 =	simm.s32 $0x9;
	[dreg:$0x13] =	wrdreg s10  }
0x1b: {  	s10 =	sshrl.u32 s31, $0x3;
	s15 =	sadd.s32 s14, s6;
	[dreg:$0x18] =	wrdreg s24  }
0x1c: {  	s17 =	sadd.s32 s14, s5;
	s23 =	sadd.s32 s22, s6;
	[dreg:$0x19] =	wrdreg s26  }
0x1d: {  	s25 =	sadd.s32 s22, s5;
	s22 =	simm.s32 $0x200;
	[dreg:$0x4] =	wrdreg s15  }
0x1e: {  	s31 =	simm.s32 $0x7C00;
	s24 =	simm.s32 $0x280;
	[dreg:$0x5] =	wrdreg s17  }
0x1f: {  	s26 =	simm.s32 $0x300;
	s14 =	simm.s32 $0xA;
	[dreg:$0x8] =	wrdreg s23  }
0x20: {  	s7 =	sadd.s32 s0, s10;
	s0 =	sadd.s32 s0, s12;
	[dreg:$0x9] =	wrdreg s25  }
0x21: {  	[dreg:$0xa] =	wrdreg s31;
	s10 =	simm.s32 $0x5;
	s12 =	simm.s32 $0x4  }
0x22: {  	s15 =	simm.s32 $0x7;
	[dreg:$0x16] =	wrdreg s7;
	s0 =	sadd.s32 $0x25080, s0  }
0x23: {  	s17 =	simm.s32 $0x0;
	[dreg:$0x17] =	wrdreg s0;
	s0 =	simm.s32 $0x2C00  }
.LBB2_1:
0x24: {  	[dreg:$0x1a] =	wrdreg s17  }
0x25: {  	s7 =	rddreg [dreg:$0xd]  }
0x26: {  	s8 =	rddreg [dreg:$0xb];
	s17 =	sshrl.u32 @p0 s7, $0x3  }
0x27: {  	s7 =	simm.s32 @p0 $0x1FCD;
	[dreg:$0x1d] =	wrdreg s17  }
0x28: {  	[spmem:s17], [sflag:s7] =	dma.local @p0 [hbm:s8], $0x2080  }
0x29: {  	s7 =	stileid.u32  }
0x2a: {  	s7 =	sshll.u32 @!p0 s7, $0x6;
	s17 =	rddreg [dreg:$0xc]  }
0x2b: {  	[dreg:$0x1b] =	wrdreg s7;
	s17 =	sshrl.u32 @!p0 s17, $0x3  }
0x2c: {  	s7 =	sor.u32 @!p0 $0x1C0D, s7;
	[dreg:$0x1c] =	wrdreg s17  }
0x2d: {  	[spmem:s17], [sflag:s7] =	dma.local @!p0 [hbm:s8], $0x2780  }
0x2e: {  	s7 =	rddreg [dreg:$0xe]  }
0x2f: {  	[tilespmem:s3], [sflag:$0x1] =	stream.linear.gather [hbm4b:s7+s3], $0x50, $0x38;
	[tilespmem:$0x1DC80] =	vst v63  }
0x30: {  	s8 =	rddreg [dreg:$0xf]  }
0x31: {  	[tilespmem:s22], [sflag:$0x1] =	stream.linear.gather [hbm4b:s8+s3], $0x50, $0x38;
	[tilespmem:$0x1DC80] =	vst v63  }
0x32: {  	s18 =	simm.s32 $0x80;
	s17 =	rddreg [dreg:$0x10]  }
0x33: {  	[tilespmem:s18], [sflag:$0x2] =	stream.linear.gather [hbm4b:s17+s3], $0x50, $0x38;
	[tilespmem:$0x1DC80] =	vst v63  }
0x34: {  	s19 =	rddreg [dreg:$0x11]  }
0x35: {  	[tilespmem:s24], [sflag:$0x2] =	stream.linear.gather [hbm4b:s19+s3], $0x50, $0x38;
	[tilespmem:$0x1DC80] =	vst v63  }
0x36: {  	s21 =	simm.s32 $0x100;
	s20 =	rddreg [dreg:$0x12]  }
0x37: {  	[tilespmem:s21], [sflag:$0x3] =	stream.linear.gather [hbm4b:s20+s3], $0x50, $0x38;
	[tilespmem:$0x1DC80] =	vst v63  }
0x38: {  	s23 =	rddreg [dreg:$0x13]  }
0x39: {  	[tilespmem:s26], [sflag:$0x3] =	stream.linear.gather [hbm4b:s23+s3], $0x50, $0x38;
	[tilespmem:$0x1DC80] =	vst v63  }
0x3a: {  	_ =	swait.ge [sflag:s28], $0x50  }
0x3b: {  	[sflag:s28] =	ssyncset.done $0x0  }
0x3c: {  	[sflag:s28] =	ssyncadd.s32 $0xFFFFFFB0  }
0x3d: {  	_ =	swait.ge [sflag:s28], $0x50  }
0x3e: {  	[sflag:s28] =	ssyncset.done $0x0  }
0x3f: {  	s25 =	simm.s32 $0x2;
	[sflag:s28] =	ssyncadd.s32 $0xFFFFFFB0  }
0x40: {  	[tilespmem:s30], [sflag:$0x5] =	stream.indirect.gather [hbm4b:s1+s29], $0x80, s3, s29, $0xb8;
	[tilespmem:$0x1DC80] =	vst v63  }
0x41: {  	_ =	swait.ge [sflag:s25], $0x50  }
0x42: {  	[sflag:s25] =	ssyncset.done $0x0  }
0x43: {  	[sflag:s25] =	ssyncadd.s32 $0xFFFFFFB0  }
0x44: {  	_ =	swait.ge [sflag:s25], $0x50  }
0x45: {  	[sflag:s25] =	ssyncset.done $0x0  }
0x46: {  	s7 =	simm.s32 @p0 $0xD;
	[sflag:s25] =	ssyncadd.s32 $0xFFFFFFB0  }
0x47: {  	[tilespmem:s0], [sflag:$0x6] =	stream.indirect.gather [hbm4b:s1+s29], $0x80, s18, s29, $0xb8;
	[tilespmem:$0x1DC80] =	vst v63  }
0x48: {  	_ =	swait.ge @p0 [sflag:s7], $0x2080  }
0x49: {  	[sflag:s7] =	ssyncset.done @p0 $0x0  }
0x4a: {  	[sflag:s7] =	ssyncadd.s32 @p0 $0xFFFFDF80;
	s7 =	simm.s32 @!p0 $0xD  }
0x4b: {  	_ =	swait.ge @!p0 [sflag:s7], $0x2780  }
0x4c: {  	[sflag:s7] =	ssyncset.done @!p0 $0x0  }
0x4d: {  	[sflag:s7] =	ssyncadd.s32 @!p0 $0xFFFFD880  }
0x4e: {  	[bflag:$0x0] =	sbarrier.arrive $0xFFFF  }
0x4f: {  	s31 =	rddreg [dreg:$0x14]  }
0x50: {  	[tilespmem:s4], [sflag:$0x4] =	stream.linear.gather [hbm4b:s31+s3], $0x50, $0x38;
	[tilespmem:$0x1DC80] =	vst v63  }
0x51: {  	s19 =	simm.s32 $0x3;
	s18 =	simm.s32 $0x380;
	s8 =	rddreg [dreg:$0x15]  }
0x52: {  	[tilespmem:s18], [sflag:$0x4] =	stream.linear.gather [hbm4b:s8+s3], $0x50, $0x38;
	[tilespmem:$0x1DC80] =	vst v63  }
0x53: {  	_ =	swait.ge [sflag:s19], $0x50  }
0x54: {  	[sflag:s19] =	ssyncset.done $0x0  }
0x55: {  	[sflag:s19] =	ssyncadd.s32 $0xFFFFFFB0  }
0x56: {  	_ =	swait.ge [sflag:s19], $0x50  }
0x57: {  	[sflag:s19] =	ssyncset.done $0x0  }
0x58: {  	[sflag:s19] =	ssyncadd.s32 $0xFFFFFFB0  }
0x59: {  	[tilespmem:s9], [sflag:$0x7] =	stream.indirect.gather [hbm4b:s1+s29], $0x80, s21, s29, $0xb8;
	[tilespmem:$0x1DC80] =	vst v63  }
0x5a: {  	_ =	swait.ge [sflag:s10], $0x2800  }
0x5b: {  	[sflag:s10] =	ssyncset.done $0x0  }
0x5c: {  	[sflag:s10] =	ssyncadd.s32 $0xFFFFD800  }
0x5d: {  	[spmem:s2] =	stream.indirect.scatter.add.f32 [tilespmem:s30], [sflag:$0x9], $0x80, s22, s29, $0xb8;
	[tilespmem:$0x1DC80] =	vst v63  }
0x5e: {  	_ =	swait.ge [sflag:s11], $0x2800  }
0x5f: {  	s20 =	rddreg [dreg:$0x19]  }
0x60: {  	[sflag:s11] =	ssyncset.done $0x0;
	s23 =	sshrl.u32 s20, $0x3  }
0x61: {  	[sflag:s11] =	ssyncadd.s32 $0xFFFFD800;
	s25 =	sadd.s32 s5, s23  }
0x62: {  	[tilespmem:s3], [sflag:$0x1] =	stream.linear.gather [hbm4b:s25+s3], $0x50, $0x38;
	[tilespmem:$0x1DC80] =	vst v63  }
0x63: {  	s7 =	sadd.s32 s6, s23  }
0x64: {  	[tilespmem:s22], [sflag:$0x1] =	stream.linear.gather [hbm4b:s7+s3], $0x50, $0x38;
	[tilespmem:$0x1DC80] =	vst v63  }
0x65: {  	_ =	swait.ge [sflag:s12], $0x50  }
0x66: {  	[sflag:s12] =	ssyncset.done $0x0  }
0x67: {  	[sflag:s12] =	ssyncadd.s32 $0xFFFFFFB0  }
0x68: {  	_ =	swait.ge [sflag:s12], $0x50  }
0x69: {  	[sflag:s12] =	ssyncset.done $0x0  }
0x6a: {  	s31 =	rddreg [dreg:$0xa];
	[sflag:s12] =	ssyncadd.s32 $0xFFFFFFB0  }
0x6b: {  	[tilespmem:s31], [sflag:$0x8] =	stream.indirect.gather [hbm4b:s1+s29], $0x80, s4, s29, $0xb8;
	[tilespmem:$0x1DC80] =	vst v63  }
0x6c: {  	_ =	swait.ge [sflag:s13], $0x2800  }
0x6d: {  	[sflag:s13] =	ssyncset.done $0x0  }
0x6e: {  	p1 =	por $0x0, $0x0;
	[sflag:s13] =	ssyncadd.s32 $0xFFFFD800  }
0x6f: {  	[spmem:s2] =	stream.indirect.scatter.add.f32 [tilespmem:s0], [sflag:$0xA], $0x80, s24, s29, $0xb8;
	[tilespmem:$0x1DC80] =	vst v63  }
0x70: {  	s23 =	simm.s32 @!p1 $0x80;
	_ =	swait.ge [sflag:s14], $0x2800  }
0x71: {  	s7 =	simm.s32 @!p1 $0x0;
	s8 =	rddreg [dreg:$0x9];
	[sflag:s14] =	ssyncset.done $0x0  }
0x72: {  	s21 =	rddreg [dreg:$0x8];
	[sflag:s14] =	ssyncadd.s32 $0xFFFFD800;
	s8 =	sadd.s32 @!p1 $0x0, s8  }
0x73: {  	[tilespmem:s23], [sflag:$0x2] =	stream.linear.gather @!p1 [hbm4b:s8+s7], $0x50, $0x38;
	[tilespmem:$0x1DC80] =	vst v63  }
0x74: {  	s21 =	sadd.s32 @!p1 $0x0, s21;
	s8 =	simm.s32 @!p1 $0x280  }
0x75: {  	[tilespmem:s8], [sflag:$0x2] =	stream.linear.gather @!p1 [hbm4b:s21+s7], $0x50, $0x38;
	[tilespmem:$0x1DC80] =	vst v63  }
0x76: {  	_ =	swait.ge [sflag:s28], $0x50  }
0x77: {  	[sflag:s28] =	ssyncset.done $0x0  }
0x78: {  	[sflag:s28] =	ssyncadd.s32 $0xFFFFFFB0  }
0x79: {  	_ =	swait.ge [sflag:s28], $0x50  }
0x7a: {  	[sflag:s28] =	ssyncset.done $0x0  }
0x7b: {  	[sflag:s28] =	ssyncadd.s32 $0xFFFFFFB0  }
0x7c: {  	[tilespmem:s30], [sflag:$0x5] =	stream.indirect.gather [hbm4b:s1+s29], $0x80, s3, s29, $0xb8;
	[tilespmem:$0x1DC80] =	vst v63  }
0x7d: {  	_ =	swait.ge [sflag:s15], $0x2800  }
0x7e: {  	[sflag:s15] =	ssyncset.done $0x0  }
0x7f: {  	[sflag:s15] =	ssyncadd.s32 $0xFFFFD800  }
0x80: {  	[spmem:s2] =	stream.indirect.scatter.add.f32 [tilespmem:s9], [sflag:$0xB], $0x80, s26, s29, $0xb8;
	[tilespmem:$0x1DC80] =	vst v63  }
0x81: {  	_ =	swait.ge [sflag:s16], $0x2800  }
0x82: {  	[sflag:s16] =	ssyncset.done $0x0  }
0x83: {  	s8 =	simm.s32 @p1 $0x8;
	[sflag:s16] =	ssyncadd.s32 $0xFFFFD800  }
0x84: {  	_ =	swait.ge @p1 [sflag:s8], $0x2800  }
0x85: {  	s25 =	simm.s32 @p1 $0x50;
	s31 =	simm.s32 @p1 $0x380;
	[sflag:s8] =	ssyncset.done @p1 $0x0  }
0x86: {  	s21 =	simm.s32 @p1 $0x7C00;
	[sflag:s8] =	ssyncadd.s32 @p1 $0xFFFFD800;
	s8 =	simm.s32 @p1 $0xC  }
0x87: {  	[spmem:s2] =	stream.indirect.scatter.add.f32 @p1 [tilespmem:s21], [sflag:$0xC], $0x80, s31, s25, $0xb8;
	[tilespmem:$0x1DC80] =	vst v63  }
0x88: {  	_ =	swait.ge @p1 [sflag:s8], $0x2800  }
0x89: {  	s21 =	rddreg [dreg:$0x7]  }
0x8a: {  	[sflag:s8] =	ssyncset.done @p1 $0x0;
	s25 =	rddreg [dreg:$0x6]  }
0x8b: {  	[sflag:s8] =	ssyncadd.s32 @p1 $0xFFFFD800;
	s8 =	sadd.s32 @!p1 $0x0, s21;
	s21 =	simm.s32 @!p1 $0x100  }
0x8c: {  	[tilespmem:s21], [sflag:$0x3] =	stream.linear.gather @!p1 [hbm4b:s8+s7], $0x50, $0x38;
	[tilespmem:$0x1DC80] =	vst v63  }
0x8d: {  	s31 =	simm.s32 @!p1 $0x2;
	s25 =	sadd.s32 @!p1 $0x0, s25;
	s8 =	simm.s32 @!p1 $0x300  }
0x8e: {  	[tilespmem:s8], [sflag:$0x3] =	stream.linear.gather @!p1 [hbm4b:s25+s7], $0x50, $0x38;
	[tilespmem:$0x1DC80] =	vst v63  }
0x8f: {  	_ =	swait.ge @!p1 [sflag:s31], $0x50  }
0x90: {  	[sflag:s31] =	ssyncset.done @!p1 $0x0  }
0x91: {  	[sflag:s31] =	ssyncadd.s32 @!p1 $0xFFFFFFB0  }
0x92: {  	_ =	swait.ge @!p1 [sflag:s31], $0x50  }
0x93: {  	s8 =	simm.s32 @!p1 $0x50;
	[sflag:s31] =	ssyncset.done @!p1 $0x0  }
0x94: {  	s25 =	simm.s32 @!p1 $0x2C00;
	[sflag:s31] =	ssyncadd.s32 @!p1 $0xFFFFFFB0;
	s31 =	simm.s32 @!p1 $0x8  }
0x95: {  	[tilespmem:s25], [sflag:$0x6] =	stream.indirect.gather @!p1 [hbm4b:s1+s8], $0x80, s23, s8, $0xb8;
	[tilespmem:$0x1DC80] =	vst v63  }
0x96: {  	_ =	swait.ge @!p1 [sflag:s31], $0x2800  }
0x97: {  	s23 =	simm.s32 @!p1 $0x380;
	[sflag:s31] =	ssyncset.done @!p1 $0x0  }
0x98: {  	s25 =	simm.s32 @!p1 $0x7C00;
	[sflag:s31] =	ssyncadd.s32 @!p1 $0xFFFFD800;
	s31 =	simm.s32 @!p1 $0xC  }
0x99: {  	[spmem:s2] =	stream.indirect.scatter.add.f32 @!p1 [tilespmem:s25], [sflag:$0xC], $0x80, s23, s8, $0xb8;
	[tilespmem:$0x1DC80] =	vst v63  }
0x9a: {  	_ =	swait.ge @!p1 [sflag:s31], $0x2800  }
0x9b: {  	s25 =	rddreg [dreg:$0x5]  }
0x9c: {  	[sflag:s31] =	ssyncset.done @!p1 $0x0;
	s18 =	rddreg [dreg:$0x4]  }
0x9d: {  	[sflag:s31] =	ssyncadd.s32 @!p1 $0xFFFFD800;
	s25 =	sadd.s32 @!p1 $0x0, s25;
	s31 =	simm.s32 @!p1 $0x180  }
0x9e: {  	[tilespmem:s31], [sflag:$0x4] =	stream.linear.gather @!p1 [hbm4b:s25+s7], $0x50, $0x38;
	[tilespmem:$0x1DC80] =	vst v63  }
0x9f: {  	s18 =	sadd.s32 @!p1 $0x0, s18  }
0xa0: {  	[tilespmem:s23], [sflag:$0x4] =	stream.linear.gather @!p1 [hbm4b:s18+s7], $0x50, $0x38;
	[tilespmem:$0x1DC80] =	vst v63  }
0xa1: {  	s7 =	simm.s32 @!p1 $0x3  }
0xa2: {  	_ =	swait.ge @!p1 [sflag:s7], $0x50  }
0xa3: {  	[sflag:s7] =	ssyncset.done @!p1 $0x0  }
0xa4: {  	[sflag:s7] =	ssyncadd.s32 @!p1 $0xFFFFFFB0  }
0xa5: {  	_ =	swait.ge @!p1 [sflag:s7], $0x50  }
0xa6: {  	[sflag:s7] =	ssyncset.done @!p1 $0x0  }
0xa7: {  	[sflag:s7] =	ssyncadd.s32 @!p1 $0xFFFFFFB0;
	s7 =	simm.s32 @!p1 $0x5400  }
0xa8: {  	[tilespmem:s7], [sflag:$0x7] =	stream.indirect.gather @!p1 [hbm4b:s1+s8], $0x80, s21, s8, $0xb8;
	[tilespmem:$0x1DC80] =	vst v63  }
0xa9: {  	_ =	swait.ge [sflag:s10], $0x2800  }
0xaa: {  	s23 =	simm.s32 $0x28;
	s21 =	smov.u32 s20;
	[sflag:s10] =	ssyncset.done $0x0  }
.LBB2_2:
0xab: {  	[sflag:s10] =	ssyncadd.s32 $0xFFFFD800  }
0xac: {  	[spmem:s2] =	stream.indirect.scatter.add.f32 [tilespmem:s30], [sflag:$0x9], $0x80, s22, s29, $0xb8;
	[tilespmem:$0x1DC80] =	vst v63  }
0xad: {  	s21 =	sadd.s32 $0x140, s21;
	_ =	swait.ge [sflag:s11], $0x2800  }
0xae: {  	s8 =	sshrl.u32 s21, $0x3;
	[sflag:s11] =	ssyncset.done $0x0  }
0xaf: {  	s18 =	sadd.s32 s5, s8;
	[sflag:s11] =	ssyncadd.s32 $0xFFFFD800  }
0xb0: {  	[tilespmem:s3], [sflag:$0x1] =	stream.linear.gather [hbm4b:s18+s3], $0x50, $0x38;
	[tilespmem:$0x1DC80] =	vst v63  }
0xb1: {  	s8 =	sadd.s32 s6, s8  }
0xb2: {  	[tilespmem:s22], [sflag:$0x1] =	stream.linear.gather [hbm4b:s8+s3], $0x50, $0x38;
	[tilespmem:$0x1DC80] =	vst v63  }
0xb3: {  	_ =	swait.ge [sflag:s12], $0x50  }
0xb4: {  	[sflag:s12] =	ssyncset.done $0x0  }
0xb5: {  	[sflag:s12] =	ssyncadd.s32 $0xFFFFFFB0  }
0xb6: {  	_ =	swait.ge [sflag:s12], $0x50  }
0xb7: {  	[sflag:s12] =	ssyncset.done $0x0  }
0xb8: {  	s31 =	rddreg [dreg:$0xa];
	[sflag:s12] =	ssyncadd.s32 $0xFFFFFFB0  }
0xb9: {  	[tilespmem:s31], [sflag:$0x8] =	stream.indirect.gather [hbm4b:s1+s29], $0x80, s4, s29, $0xb8;
	[tilespmem:$0x1DC80] =	vst v63  }
0xba: {  	_ =	swait.ge [sflag:s13], $0x2800  }
0xbb: {  	s7 =	smov.u32 s23;
	[sflag:s13] =	ssyncset.done $0x0  }
0xbc: {  	p2 =	seq.s32 s7, $0x4B0;
	[sflag:s13] =	ssyncadd.s32 $0xFFFFD800  }
0xbd: {  	[spmem:s2] =	stream.indirect.scatter.add.f32 [tilespmem:s0], [sflag:$0xA], $0x80, s24, s29, $0xb8;
	[tilespmem:$0x1DC80] =	vst v63  }
0xbe: {  	s25 =	simm.s32 @!p2 $0x0;
	_ =	swait.ge [sflag:s14], $0x2800  }
0xbf: {  	s31 =	simm.s32 @!p2 $0x80;
	s8 =	rddreg [dreg:$0x9];
	[sflag:s14] =	ssyncset.done $0x0  }
0xc0: {  	s18 =	rddreg [dreg:$0x8];
	[sflag:s14] =	ssyncadd.s32 $0xFFFFD800;
	s8 =	sadd.s32 @!p2 s7, s8  }
0xc1: {  	[tilespmem:s31], [sflag:$0x2] =	stream.linear.gather @!p2 [hbm4b:s8+s25], $0x50, $0x38;
	[tilespmem:$0x1DC80] =	vst v63  }
0xc2: {  	s19 =	simm.s32 @!p2 $0x280;
	s8 =	sadd.s32 @!p2 s7, s18  }
0xc3: {  	[tilespmem:s19], [sflag:$0x2] =	stream.linear.gather @!p2 [hbm4b:s8+s25], $0x50, $0x38;
	[tilespmem:$0x1DC80] =	vst v63  }
0xc4: {  	_ =	swait.ge [sflag:s28], $0x50  }
0xc5: {  	[sflag:s28] =	ssyncset.done $0x0  }
0xc6: {  	[sflag:s28] =	ssyncadd.s32 $0xFFFFFFB0  }
0xc7: {  	_ =	swait.ge [sflag:s28], $0x50  }
0xc8: {  	[sflag:s28] =	ssyncset.done $0x0  }
0xc9: {  	[sflag:s28] =	ssyncadd.s32 $0xFFFFFFB0  }
0xca: {  	[tilespmem:s30], [sflag:$0x5] =	stream.indirect.gather [hbm4b:s1+s29], $0x80, s3, s29, $0xb8;
	[tilespmem:$0x1DC80] =	vst v63  }
0xcb: {  	_ =	swait.ge [sflag:s15], $0x2800  }
0xcc: {  	[sflag:s15] =	ssyncset.done $0x0  }
0xcd: {  	[sflag:s15] =	ssyncadd.s32 $0xFFFFD800  }
0xce: {  	[spmem:s2] =	stream.indirect.scatter.add.f32 [tilespmem:s9], [sflag:$0xB], $0x80, s26, s29, $0xb8;
	[tilespmem:$0x1DC80] =	vst v63  }
0xcf: {  	_ =	swait.ge [sflag:s16], $0x2800  }
0xd0: {  	[sflag:s16] =	ssyncset.done $0x0  }
0xd1: {  	s8 =	simm.s32 @p2 $0x8;
	[sflag:s16] =	ssyncadd.s32 $0xFFFFD800  }
0xd2: {  	_ =	swait.ge @p2 [sflag:s8], $0x2800  }
0xd3: {  	s20 =	simm.s32 @p2 $0x380;
	s18 =	simm.s32 @p2 $0x7C00;
	[sflag:s8] =	ssyncset.done @p2 $0x0  }
0xd4: {  	s19 =	simm.s32 @p2 $0x50;
	[sflag:s8] =	ssyncadd.s32 @p2 $0xFFFFD800;
	s8 =	simm.s32 @p2 $0xC  }
0xd5: {  	[spmem:s2] =	stream.indirect.scatter.add.f32 @p2 [tilespmem:s18], [sflag:$0xC], $0x80, s20, s19, $0xb8;
	[tilespmem:$0x1DC80] =	vst v63  }
0xd6: {  	_ =	swait.ge @p2 [sflag:s8], $0x2800  }
0xd7: {  	s18 =	rddreg [dreg:$0x7]  }
0xd8: {  	[sflag:s8] =	ssyncset.done @p2 $0x0;
	s19 =	rddreg [dreg:$0x6]  }
0xd9: {  	[sflag:s8] =	ssyncadd.s32 @p2 $0xFFFFD800;
	s18 =	sadd.s32 @!p2 s7, s18;
	s8 =	simm.s32 @!p2 $0x100  }
0xda: {  	[tilespmem:s8], [sflag:$0x3] =	stream.linear.gather @!p2 [hbm4b:s18+s25], $0x50, $0x38;
	[tilespmem:$0x1DC80] =	vst v63  }
0xdb: {  	s20 =	simm.s32 @!p2 $0x300;
	s18 =	sadd.s32 @!p2 s7, s19;
	s19 =	simm.s32 @!p2 $0x2  }
0xdc: {  	[tilespmem:s20], [sflag:$0x3] =	stream.linear.gather @!p2 [hbm4b:s18+s25], $0x50, $0x38;
	[tilespmem:$0x1DC80] =	vst v63  }
0xdd: {  	_ =	swait.ge @!p2 [sflag:s19], $0x50  }
0xde: {  	[sflag:s19] =	ssyncset.done @!p2 $0x0  }
0xdf: {  	[sflag:s19] =	ssyncadd.s32 @!p2 $0xFFFFFFB0  }
0xe0: {  	_ =	swait.ge @!p2 [sflag:s19], $0x50  }
0xe1: {  	s18 =	simm.s32 @!p2 $0x50;
	[sflag:s19] =	ssyncset.done @!p2 $0x0  }
0xe2: {  	s20 =	simm.s32 @!p2 $0x2C00;
	[sflag:s19] =	ssyncadd.s32 @!p2 $0xFFFFFFB0;
	s19 =	simm.s32 @!p2 $0x8  }
0xe3: {  	[tilespmem:s20], [sflag:$0x6] =	stream.indirect.gather @!p2 [hbm4b:s1+s18], $0x80, s31, s18, $0xb8;
	[tilespmem:$0x1DC80] =	vst v63  }
0xe4: {  	_ =	swait.ge @!p2 [sflag:s19], $0x2800  }
0xe5: {  	s20 =	simm.s32 @!p2 $0x380;
	[sflag:s19] =	ssyncset.done @!p2 $0x0  }
0xe6: {  	s31 =	simm.s32 @!p2 $0x7C00;
	[sflag:s19] =	ssyncadd.s32 @!p2 $0xFFFFD800;
	s19 =	simm.s32 @!p2 $0xC  }
0xe7: {  	[spmem:s2] =	stream.indirect.scatter.add.f32 @!p2 [tilespmem:s31], [sflag:$0xC], $0x80, s20, s18, $0xb8;
	[tilespmem:$0x1DC80] =	vst v63  }
0xe8: {  	_ =	swait.ge @!p2 [sflag:s19], $0x2800  }
0xe9: {  	s31 =	rddreg [dreg:$0x5]  }
0xea: {  	[sflag:s19] =	ssyncset.done @!p2 $0x0;
	s17 =	rddreg [dreg:$0x4]  }
0xeb: {  	[sflag:s19] =	ssyncadd.s32 @!p2 $0xFFFFD800;
	s19 =	sadd.s32 @!p2 s7, s31;
	s31 =	simm.s32 @!p2 $0x180  }
0xec: {  	[tilespmem:s31], [sflag:$0x4] =	stream.linear.gather @!p2 [hbm4b:s19+s25], $0x50, $0x38;
	[tilespmem:$0x1DC80] =	vst v63  }
0xed: {  	s7 =	sadd.s32 @!p2 s7, s17;
	s17 =	simm.s32 @!p2 $0x3  }
0xee: {  	[tilespmem:s20], [sflag:$0x4] =	stream.linear.gather @!p2 [hbm4b:s7+s25], $0x50, $0x38;
	[tilespmem:$0x1DC80] =	vst v63  }
0xef: {  	_ =	swait.ge @!p2 [sflag:s17], $0x50  }
0xf0: {  	[sflag:s17] =	ssyncset.done @!p2 $0x0  }
0xf1: {  	s23 =	sadd.s32 $0x28, s23;
	[sflag:s17] =	ssyncadd.s32 @!p2 $0xFFFFFFB0  }
0xf2: {  	p1 =	sne.s32 s23, $0x4D8;
	_ =	swait.ge @!p2 [sflag:s17], $0x50  }
.Ltmp0:
0xf3: {  	[sflag:s17] =	ssyncset.done @!p2 $0x0;
	(pc) =	sbr.rel @p1 .LBB2_2-.Ltmp0, $4  }
0xf4: {  	s7 =	simm.s32 @!p2 $0x5400;
	[sflag:s17] =	ssyncadd.s32 @!p2 $0xFFFFFFB0  }
0xf5: {  	[tilespmem:s7], [sflag:$0x7] =	stream.indirect.gather @!p2 [hbm4b:s1+s18], $0x80, s8, s18, $0xb8;
	[tilespmem:$0x1DC80] =	vst v63  }
0xf6: {  	_ =	swait.ge [sflag:s10], $0x2800  }
0xf7: {  	[sflag:s10] =	ssyncset.done $0x0  }
0xf8: {  	[sflag:s10] =	ssyncadd.s32 $0xFFFFD800  }
0xf9: {  	[spmem:s2] =	stream.indirect.scatter.add.f32 [tilespmem:s30], [sflag:$0x9], $0x80, s22, s29, $0xb8;
	[tilespmem:$0x1DC80] =	vst v63  }
0xfa: {  	_ =	swait.ge [sflag:s11], $0x2800  }
0xfb: {  	[sflag:s11] =	ssyncset.done $0x0  }
0xfc: {  	[sflag:s11] =	ssyncadd.s32 $0xFFFFD800  }
0xfd: {  	[bflag:$0x0] =	sbarrier.arrive $0xFFFF  }
0xfe: {  	s8 =	rddreg [dreg:$0x17]  }
0xff: {  	s7 =	simm.s32 @p0 $0x1FCE;
	s17 =	rddreg [dreg:$0x1d]  }
0x100: {  	[hbm:s8], [sflag:s7] =	dma.local @p0 [spmem:s17], $0x2080  }
0x101: {  	s7 =	simm.s32 @p0 $0xE  }
0x102: {  	_ =	swait.ge @p0 [sflag:s7], $0x2080  }
0x103: {  	[sflag:s7] =	ssyncset.done @p0 $0x0;
	s8 =	rddreg [dreg:$0x16]  }
0x104: {  	[sflag:s7] =	ssyncadd.s32 @p0 $0xFFFFDF80;
	s7 =	rddreg [dreg:$0x1b]  }
0x105: {  	s17 =	rddreg [dreg:$0x1c];
	s7 =	sor.u32 @!p0 $0x1C0E, s7  }
0x106: {  	[hbm:s8], [sflag:s7] =	dma.local @!p0 [spmem:s17], $0x2780  }
0x107: {  	s7 =	simm.s32 @!p0 $0xE  }
0x108: {  	_ =	swait.ge @!p0 [sflag:s7], $0x2780  }
0x109: {  	s25 =	rddreg [dreg:$0x1a]  }
0x10a: {  	s31 =	rddreg [dreg:$0x18];
	s17 =	sadd.s32 $0x1, s25  }
0x10b: {  	p1 =	sne.s32 s17, s31  }
.Ltmp1:
0x10c: {  	_ = 	snop;
	(pc) =	sbr.rel @p1 .LBB2_1-.Ltmp1, $3  }
0x10d: {  	_ =	sdelay $0x1  }
0x10e: {  	[sflag:s7] =	ssyncset.done @!p0 $0x0  }
0x10f: {  	[sflag:s7] =	ssyncadd.s32 @!p0 $0xFFFFD880  }
0x110: {  	_ =	sfence.sel $0x180000  }
0x111: {  	[bflag:$0x0] =	sbarrier.arrive $0xFFFF  }
0x112: {  	_ =	strace $0x90000047  }
0x113: {  	s0 =	stileid.u32;
	[bflag:$0x2] =	sbarrier.arrive $0xFFFF  }
0x114: {  	p0 =	sne.s32 s0, $0x0;
	s0 =	rddreg [dreg:$0x3]  }
0x115: {  	s0 =	sadd.s32 @!p0 $0x100000, s0  }
0x116: {  	[sflag:s0] =	ssyncadd.tile.s32 @!p0 $0x1;
	_ =	shalt  }
.Lfunc_end2:
_tile_overlayer_lowered:
.L_overlay_start_2:
0x117: {  	(tag) =	ssettag $0x2  }
0x118: {  	s0 =	rddreg [dreg:$0x0];
	s2 =	stileid.u32  }
0x119: {  	s1 =	rddreg [dreg:$0x1];
	p0 =	sne.s32 s2, $0x0  }
0x11a: {  	s3 =	rddreg [dreg:$0x2];
	[bflag:$0x3] =	sbarrier.arrive $0xFFFF;
	s2 =	simm.s32 @!p0 $0x1C0E  }
0x11b: {  	[timem:s3], [sflag:s2] =	dma.local @!p0 [hbm:s0], s1  }
0x11c: {  	s0 =	simm.s32 @!p0 $0xE  }
0x11d: {  	_ =	swait.ge @!p0 [sflag:s0], s1  }
0x11e: {  	s1 =	ssub.s32 @!p0 $0x0, s1;
	[sflag:s0] =	ssyncset.done @!p0 $0x0  }
0x11f: {  	[sflag:s0] =	ssyncadd.s32 @!p0 s1  }
0x120: {  	[bflag:$0x3] =	sbarrier.arrive $0xFFFF  }
0x121: {  	_ =	shalt  }

// kernel: kernel.9.cloned.1.call-start
scs
__scs_entry_jumppad:
0x0: {  	(pc) =	sbr.rel $0x88, $3  }
0x1: {  	(tag) =	ssettag $0x0;
	lr =	simm.s32 $0x1  }
0x2: {  	[smem:$0x3F97] =	sst lr;
	_ =	strace $0xD0000000  }
0x3: {  	_ = 	snop  }
0x4: {  	_ = 	snop  }
0x5: {  	_ = 	snop  }
0x6: {  	_ = 	snop  }
0x7: {  	_ = 	snop  }
__scs_overlays_trampoline_lowered:
0x8: {  	[smem:$0x3FA6] =	sst s0  }
0x9: {  	[smem:$0x3FA7] =	sst s1  }
0xa: {  	[smem:$0x3FA8] =	sst s2  }
0xb: {  	[smem:$0x3FA9] =	sst s3  }
0xc: {  	[smem:$0x3FAA] =	sst s4  }
0xd: {  	[smem:$0x3FAB] =	sst s5  }
0xe: {  	[smem:$0x3FAC] =	sst s6  }
0xf: {  	[smem:$0x3FAD] =	sst s7  }
0x10: {  	[smem:$0x3FAE] =	sst s8  }
0x11: {  	[smem:$0x3FAF] =	sst s9;
	s0 =	simm.s32 @!p0 $0x0  }
0x12: {  	s1 =	sld [smem:$0x3F95];
	s0 =	simm.s32 @p0 $0x1  }
0x13: {  	[smem:$0x3FB0] =	sst s0;
	s0 =	simm.s32 @!p1 $0x0  }
0x14: {  	s2 =	sld [smem:$0x3F94];
	s0 =	simm.s32 @p1 $0x1  }
0x15: {  	[smem:$0x3FB1] =	sst s0;
	s0 =	simm.s32 @!p2 $0x0  }
0x16: {  	s3 =	sld [smem:$0x3FDB];
	s0 =	simm.s32 @p2 $0x1  }
0x17: {  	s4 =	simm.s32 $0x1BF5;
	[smem:$0x3FB3] =	sst s0  }
0x18: {  	s0 =	sld [smem:$0x3F96];
	_ =	swait.ge [sflag:s4], $0x0  }
0x19: {  	s7 =	sld [smem:$0x3F97]  }
0x1a: {  	s8 =	sadd.s32 $0xFFFFE003, lr  }
0x1b: {  	s9 =	sadd.s32 $0xFFFFFEF7, lr;
	s5 =	simm.s32 $0xFFFFFFFF;
	p2 =	slt.u32 s8, $0xFFFFF086  }
0x1c: {  	p1 =	slt.u32 s9, $0xF7A;
	s5 =	simm.s32 @!p2 $0x0  }
0x1d: {  	s5 =	simm.s32 @p1 $0x1;
	p0 =	seq.s32 s7, s2  }
0x1e: {  	s7 =	smul.u32 @!p0 $0xF7A, s2;
	p2 =	seq.s32 @!p0 s5, $0x0  }
0x1f: {  	s9 =	smul.u32 $0xF7A, s1;
	s8 =	simm.s32 @!p0 $0x1BF5;
	p2 =	por !p2, p0  }
0x20: {  	[sflag:s8] =	ssyncset.s32 @!p0 $0xFFFFF086;
	s6 =	sadd.s32 @!p0 s3, s7;
	s7 =	simm.s32 @!p0 $0x108  }
0x21: {  	s3 =	sadd.s32 s3, s9;
	s6 =	sadd.s32 @!p0 $0x88, s6;
	s7 =	simm.s32 @p2 $0x1082  }
0x22: {  	[simem:s7], [sflag:s8] =	dma.local @!p0 [hbm:s6], $0xF7A  }
0x23: {  	s9 =	sor.u32 $0xD0000000, s2;
	s6 =	simm.s32 $0x108;
	_ =	swait.ge @!p0 [sflag:s8], $0x0  }
0x24: {  	s3 =	sadd.s32 $0x88, s3;
	s6 =	simm.s32 @!p1 $0x1082;
	[sflag:s4] =	ssyncset.s32 $0xFFFFF086  }
0x25: {  	[simem:s6], [sflag:s4] =	dma.local [hbm:s3], $0xF7A  }
0x26: {  	[smem:$0x3F97] =	sst s1;
	(tag) =	ssettag s2;
	_ =	strace s9  }
0x27: {  	s1 =	sld [smem:$0x3FA7]  }
0x28: {  	s2 =	sld [smem:$0x3FA8]  }
0x29: {  	s4 =	sld [smem:$0x3FAA]  }
0x2a: {  	p0 =	seq.s32 s5, $0x0;
	s5 =	sld [smem:$0x3FAB]  }
0x2b: {  	s6 =	sld [smem:$0x3FAC]  }
0x2c: {  	s7 =	sld [smem:$0x3FAD]  }
0x2d: {  	s3 =	simm.s32 $0x108;
	s8 =	sld [smem:$0x3FAE]  }
0x2e: {  	s3 =	simm.s32 @!p0 $0x1082;
	s9 =	sld [smem:$0x3FAF]  }
0x2f: {  	lr =	sadd.s32 s0, s3;
	s0 =	sld [smem:$0x3FA6]  }
0x30: {  	s3 =	sld [smem:$0x3FA9]  }
0x31: {  	[smem:$0x3FB2] =	sst s10  }
0x32: {  	s10 =	sld [smem:$0x3FB0];
	_ =	sdelay $0x3  }
0x33: {  	p0 =	seq.s32 s10, $0x1;
	s10 =	sld [smem:$0x3FB2];
	_ =	sdelay $0x3  }
0x34: {  	[smem:$0x3FB2] =	sst s10  }
0x35: {  	s10 =	sld [smem:$0x3FB1];
	_ =	sdelay $0x3  }
0x36: {  	p1 =	seq.s32 s10, $0x1;
	s10 =	sld [smem:$0x3FB2];
	_ =	sdelay $0x3  }
0x37: {  	[smem:$0x3FB2] =	sst s10  }
0x38: {  	s10 =	sld [smem:$0x3FB3]  }
0x39: {  	_ = 	snop;
	(pc) =	sbr.ind lr, $3  }
0x3a: {  	_ = 	snop  }
0x3b: {  	_ = 	snop  }
0x3c: {  	p2 =	seq.s32 s10, $0x1;
	s10 =	sld [smem:$0x3FB2]  }
0x3d: {  	_ =	shalt  }
0x3e: {  	_ =	shalt  }
0x3f: {  	_ =	shalt  }
0x40: {  	_ =	shalt  }
0x41: {  	_ =	shalt  }
0x42: {  	_ =	shalt  }
0x43: {  	_ =	shalt  }
0x44: {  	_ =	shalt  }
0x45: {  	_ =	shalt  }
0x46: {  	_ =	shalt  }
0x47: {  	_ =	shalt  }
0x48: {  	_ =	shalt  }
0x49: {  	_ =	shalt  }
0x4a: {  	_ =	shalt  }
0x4b: {  	_ =	shalt  }
0x4c: {  	_ =	shalt  }
0x4d: {  	_ =	shalt  }
0x4e: {  	_ =	shalt  }
0x4f: {  	_ =	shalt  }
0x50: {  	_ =	shalt  }
0x51: {  	_ =	shalt  }
0x52: {  	_ =	shalt  }
0x53: {  	_ =	shalt  }
0x54: {  	_ =	shalt  }
0x55: {  	_ =	shalt  }
0x56: {  	_ =	shalt  }
0x57: {  	_ =	shalt  }
0x58: {  	_ =	shalt  }
0x59: {  	_ =	shalt  }
0x5a: {  	_ =	shalt  }
0x5b: {  	_ =	shalt  }
0x5c: {  	_ =	shalt  }
0x5d: {  	_ =	shalt  }
0x5e: {  	_ =	shalt  }
0x5f: {  	_ =	shalt  }
0x60: {  	_ =	shalt  }
0x61: {  	_ =	shalt  }
0x62: {  	_ =	shalt  }
0x63: {  	_ =	shalt  }
0x64: {  	_ =	shalt  }
0x65: {  	_ =	shalt  }
0x66: {  	_ =	shalt  }
0x67: {  	_ =	shalt  }
0x68: {  	_ =	shalt  }
0x69: {  	_ =	shalt  }
0x6a: {  	_ =	shalt  }
0x6b: {  	_ =	shalt  }
0x6c: {  	_ =	shalt  }
0x6d: {  	_ =	shalt  }
0x6e: {  	_ =	shalt  }
0x6f: {  	_ =	shalt  }
0x70: {  	_ =	shalt  }
0x71: {  	_ =	shalt  }
0x72: {  	_ =	shalt  }
0x73: {  	_ =	shalt  }
0x74: {  	_ =	shalt  }
0x75: {  	_ =	shalt  }
0x76: {  	_ =	shalt  }
0x77: {  	_ =	shalt  }
0x78: {  	_ =	shalt  }
0x79: {  	_ =	shalt  }
0x7a: {  	_ =	shalt  }
0x7b: {  	_ =	shalt  }
0x7c: {  	_ =	shalt  }
0x7d: {  	_ =	shalt  }
0x7e: {  	_ =	shalt  }
0x7f: {  	_ =	shalt  }
0x80: {  	_ =	shalt  }
0x81: {  	_ =	shalt  }
0x82: {  	_ =	shalt  }
0x83: {  	_ =	shalt  }
0x84: {  	_ =	shalt  }
0x85: {  	_ =	shalt  }
0x86: {  	_ =	shalt  }
0x87: {  	_ =	shalt  }
.Lfunc_end0:
.L_simem_size_0:
called_computation.1_lowered:
.L_overlay_start_0:
0x88: {  	s2 =	sld [smem:$0x3FD9]  }
0x89: {  	s3 =	sld [smem:$0x3FFE];
	_ =	sdelay $0x1  }
0x8a: {  	s1 =	srdreg.scid  }
0x8b: {  	s0 =	sand.u32 $0x1, s1  }
0x8c: {  	s16 =	sshll.u32 s0, $0xA;
	s2 =	sadd.s32 s3, s2  }
0x8d: {  	s2 =	sadd.s32 s2, s16  }
0x8e: {  	[smem:$0x3FBE] =	sst s2  }
0x8f: {  	_ = 	snop  }
0x90: {  	(tm) =	ssettm $0x1  }
0x91: {  	s17 =	sld [smem:$0x3FFB];
	_ =	sdelay $0x3  }
0x92: {  	_ =	strace s17  }
0x93: {  	s2 =	sld [smem:$0x3FFC];
	_ =	sdelay $0x3  }
0x94: {  	_ =	strace s2  }
0x95: {  	s2 =	sld [smem:$0x3FFD];
	_ =	sdelay $0x3  }
0x96: {  	_ =	strace s2  }
0x97: {  	_ =	strace $0x8FFFFFFF  }
0x98: {  	s18 =	sld [smem:$0x3FDB];
	_ =	sdelay $0x1  }
0x99: {  	s19 =	simm.s32 $_scs_section_size  }
0x9a: {  	s4 =	simm.s32 $_size__tile_overlayer_lowered;
	s5 =	simm.s32 $_tile_overlayer_lowered  }
0x9b: {  	s22 =	simm.s32 $0x1BFF;
	s21 =	sshll.u32 s5, $0x1;
	s2 =	sadd.s32 s19, s18  }
0x9c: {  	s6 =	simm.s32 $0x0;
	s20 =	sshll.u32 s4, $0x1;
	s4 =	sadd.s32 s21, s2  }
0x9d: {  	[timem:s6], [sflag:s22] =	dma.local [hbm:s4], s20  }
0x9e: {  	_ =	swait.ge [sflag:s22], s20  }
0x9f: {  	s3 =	ssub.s32 $0x0, s20;
	[sflag:s22] =	ssyncset.done $0x0  }
0xa0: {  	[sflag:s22] =	ssyncadd.s32 s3;
	_ =	sdelay $0x1  }
0xa1: {  	s23 =	simm.s32 $0x1B8B  }
0xa2: {  	_ =	swait.ge [sflag:s23], $0x1  }
0xa3: {  	[sflag:s23] =	ssyncset.done $0x0  }
0xa4: {  	s25 =	simm.s32 $0x1B8E;
	s24 =	sld [smem:$0x3FFE];
	[sflag:s23] =	ssyncadd.s32 $0xFFFFFFFF  }
0xa5: {  	s26 =	simm.s32 $execute0_lowered;
	[smem:$0x3FD2] =	sst s25  }
0xa6: {  	s4 =	sshll.u32 s26, $0x1;
	_ =	strace $0x80000049;
	[dreg:$0x1] =	wrdreg $0xFFFFFFFF  }
0xa7: {  	s28 =	simm.s32 $_size_execute0_lowered;
	s2 =	sadd.s32 s2, s4;
	[dreg:$0x0] =	wrdreg $0x0  }
0xa8: {  	s4 =	sshll.u32 s28, $0x1;
	[dreg:$0x2] =	wrdreg s2  }
0xa9: {  	[dreg:$0x3] =	wrdreg s4  }
0xaa: {  	[dreg:$0x4] =	wrdreg $0xC0  }
0xab: {  	_ =	task [dreg:s6], $0x5FFFF  }
0xac: {  	[dreg:$0x1] =	wrdreg $0xFFFFFFFF  }
0xad: {  	[dreg:$0x0] =	wrdreg $0x60  }
0xae: {  	[dreg:$0x2] =	wrdreg s24  }
0xaf: {  	[dreg:$0x3] =	wrdreg $0xA4000  }
0xb0: {  	[dreg:$0x4] =	wrdreg $0x9  }
0xb1: {  	_ =	task.clear_ibuf [dreg:s6], $0x5FFFF;
	_ =	strace $0x90000049  }
0xb2: {  	s29 =	simm.s32 $0x9;
	_ =	strace $0x8000004B  }
0xb3: {  	_ =	swait.ge [sflag:s29], $0x1  }
0xb4: {  	[sflag:s29] =	ssyncadd.s32 $0xFFFFFFFF  }
0xb5: {  	_ =	strace $0x9000004B  }
0xb6: {  	_ =	sfence  }
0xb7: {  	s30 =	sld [smem:$0x0];
	_ =	sdelay $0x2  }
0xb8: {  	s31 =	sshll.u32 s1, $0xD;
	s1 =	sshrl.u32 s1, $0x2  }
0xb9: {  	s3 =	sand.u32 $0x4000, s31;
	s1 =	sadd.s32 s1, s30  }
0xba: {  	s0 =	sor.u32 s3, s0;
	s1 =	sshll.u32 s1, $0x11  }
0xbb: {  	s0 =	sor.u32 s1, s0  }
0xbc: {  	s0 =	sadd.s32 $0x8F2B, s0  }
0xbd: {  	[sflag:s0] =	ssyncadd.remote.s32 $0x1  }
0xbe: {  	_ =	sfence.sel $0xFFFF  }
0xbf: {  	[dreg:$0x0] =	wrdreg $0xFFFFFFFF;
	(pc) =	sbr.abs _section_cstart, $3  }
0xc0: {  	[dreg:$0x1] =	wrdreg $0xFFFFFFFF  }
0xc1: {  	_ =	task.clear_ibuf [dreg:s6], $0x2FFFF;
	_ =	strace $0x9FFFFFFF  }
0xc2: {  	(tm) =	ssettm $0x7FFFFFFF  }
0xc3: {  	_ =	shalt  }
tec
execute0_lowered:
.L_overlay_start_1:
0x0: {  	(tag) =	ssettag $0x1  }
0x1: {  	s0 =	rddreg [dreg:$0x0]  }
0x2: {  	s1 =	rddreg [dreg:$0x1]  }
0x3: {  	s2 =	simm.s32 $0x0;
	s3 =	srdreg.scid;
	s13 =	stileid.u32  }
0x4: {  	s28 =	simm.s32 $0x1;
	s29 =	simm.s32 $0x50;
	s30 =	simm.s32 $0x400  }
0x5: {  	[smem:$0x7FF] =	sst s2;
	s4 =	sadd.s32 $0x18400, s0;
	s5 =	sadd.s32 $0xBE00, s0  }
0x6: {  	s3 =	sand.u32 $0x1, s3;
	s6 =	sadd.s32 $0x2000, s0;
	s8 =	smul.u32 $0x4F000, s13  }
0x7: {  	s9 =	sadd.s32 $0x15C00, s0;
	s0 =	sadd.s32 $0x3F600, s0;
	s11 =	smul.u32 $0x13C00, s13  }
0x8: {  	s19 =	sadd.s32 $0x128400, s1;
	s25 =	smul.u32 $0x2710, s13;
	p0 =	seq.s32 s13, $0xF  }
0x9: {  	_ =	strace $0x8000004A;
	s7 =	sshll.u32 s3, $0x4;
	[dreg:$0xa] =	wrdreg s9  }
0xa: {  	s18 =	ssub.s32 $0x2, s3;
	[dreg:$0xc] =	wrdreg s19;
	s20 =	smul.u32 $0x138800, s3  }
0xb: {  	s3 =	smul.u32 $0x27100, s3;
	s7 =	sor.u32 s13, s7;
	s10 =	sshrl.u32 s18, $0x1  }
0xc: {  	s8 =	sshrl.u32 s8, $0x2;
	s13 =	simm.s32 $0x6;
	s7 =	smul.u32 $0x2710, s7  }
0xd: {  	s9 =	ssub.s32 s18, s10;
	s8 =	sadd.s32 s8, s1;
	s31 =	sadd.s32 s11, s20  }
0xe: {  	s3 =	sadd.s32 s25, s3;
	[dreg:$0xb] =	wrdreg s8;
	s7 =	sshrl.u32 s7, $0x3  }
0xf: {  	s11 =	sadd.s32 $0x230, s3;
	s16 =	sadd.s32 $0x1E0, s3;
	s21 =	sadd.s32 s5, s7  }
0x10: {  	s18 =	sshrl.u32 s16, $0x3;
	s12 =	sadd.s32 s6, s7;
	[dreg:$0xd] =	wrdreg s21  }
0x11: {  	s22 =	sadd.s32 $0xA, s7;
	s19 =	sadd.s32 s18, s6;
	[dreg:$0xe] =	wrdreg s12  }
0x12: {  	s16 =	simm.s32 $0xB;
	s23 =	sadd.s32 s5, s22;
	[dreg:$0x5] =	wrdreg s19  }
0x13: {  	s24 =	sadd.s32 $0x14, s7;
	s10 =	sadd.s32 s6, s22;
	[dreg:$0xf] =	wrdreg s23  }
0x14: {  	s7 =	sadd.s32 $0x1E, s7;
	s14 =	sadd.s32 s5, s24;
	[dreg:$0x10] =	wrdreg s10  }
0x15: {  	s26 =	sadd.s32 s5, s7;
	s7 =	sadd.s32 s6, s7;
	[dreg:$0x11] =	wrdreg s14  }
0x16: {  	s12 =	sshrl.u32 s20, $0x3;
	s20 =	sadd.s32 $0x190, s3;
	[dreg:$0x13] =	wrdreg s26  }
0x17: {  	s21 =	sadd.s32 s18, s5;
	s10 =	sadd.s32 s6, s24;
	[dreg:$0x14] =	wrdreg s7  }
0x18: {  	s14 =	sshrl.u32 s11, $0x3;
	s22 =	sshrl.u32 s20, $0x3;
	[dreg:$0x6] =	wrdreg s21  }
0x19: {  	s24 =	smax.u32 s9, $0x1;
	s26 =	sadd.s32 $0x140, s3;
	s3 =	simm.s32 $0x180  }
0x1a: {  	s9 =	simm.s32 $0x5400;
	s11 =	simm.s32 $0x9;
	[dreg:$0x12] =	wrdreg s10  }
0x1b: {  	s10 =	sshrl.u32 s31, $0x3;
	s15 =	sadd.s32 s14, s6;
	[dreg:$0x17] =	wrdreg s24  }
0x1c: {  	s17 =	sadd.s32 s14, s5;
	s23 =	sadd.s32 s22, s6;
	[dreg:$0x18] =	wrdreg s26  }
0x1d: {  	s25 =	sadd.s32 s22, s5;
	s22 =	simm.s32 $0x200;
	[dreg:$0x3] =	wrdreg s15  }
0x1e: {  	s31 =	simm.s32 $0x7C00;
	s24 =	simm.s32 $0x280;
	[dreg:$0x4] =	wrdreg s17  }
0x1f: {  	s26 =	simm.s32 $0x300;
	s14 =	simm.s32 $0xA;
	[dreg:$0x7] =	wrdreg s23  }
0x20: {  	s7 =	sadd.s32 s0, s10;
	s0 =	sadd.s32 s0, s12;
	[dreg:$0x8] =	wrdreg s25  }
0x21: {  	[dreg:$0x9] =	wrdreg s31;
	s10 =	simm.s32 $0x5;
	s12 =	simm.s32 $0x4  }
0x22: {  	s15 =	simm.s32 $0x7;
	[dreg:$0x15] =	wrdreg s7;
	s0 =	sadd.s32 $0x25080, s0  }
0x23: {  	s17 =	simm.s32 $0x0;
	[dreg:$0x16] =	wrdreg s0;
	s0 =	simm.s32 $0x2C00  }
.LBB2_1:
0x24: {  	[dreg:$0x19] =	wrdreg s17  }
0x25: {  	s7 =	rddreg [dreg:$0xc]  }
0x26: {  	s8 =	rddreg [dreg:$0xa];
	s17 =	sshrl.u32 @p0 s7, $0x3  }
0x27: {  	s7 =	simm.s32 @p0 $0x1FCD;
	[dreg:$0x1c] =	wrdreg s17  }
0x28: {  	[spmem:s17], [sflag:s7] =	dma.local @p0 [hbm:s8], $0x2080  }
0x29: {  	s7 =	stileid.u32  }
0x2a: {  	s7 =	sshll.u32 @!p0 s7, $0x6;
	s17 =	rddreg [dreg:$0xb]  }
0x2b: {  	[dreg:$0x1a] =	wrdreg s7;
	s17 =	sshrl.u32 @!p0 s17, $0x3  }
0x2c: {  	s7 =	sor.u32 @!p0 $0x1C0D, s7;
	[dreg:$0x1b] =	wrdreg s17  }
0x2d: {  	[spmem:s17], [sflag:s7] =	dma.local @!p0 [hbm:s8], $0x2780  }
0x2e: {  	s7 =	rddreg [dreg:$0xd]  }
0x2f: {  	[tilespmem:s2], [sflag:$0x1] =	stream.linear.gather [hbm4b:s7+s2], $0x50, $0x38;
	[tilespmem:$0x1DC80] =	vst v63  }
0x30: {  	s8 =	rddreg [dreg:$0xe]  }
0x31: {  	[tilespmem:s22], [sflag:$0x1] =	stream.linear.gather [hbm4b:s8+s2], $0x50, $0x38;
	[tilespmem:$0x1DC80] =	vst v63  }
0x32: {  	s18 =	simm.s32 $0x80;
	s17 =	rddreg [dreg:$0xf]  }
0x33: {  	[tilespmem:s18], [sflag:$0x2] =	stream.linear.gather [hbm4b:s17+s2], $0x50, $0x38;
	[tilespmem:$0x1DC80] =	vst v63  }
0x34: {  	s19 =	rddreg [dreg:$0x10]  }
0x35: {  	[tilespmem:s24], [sflag:$0x2] =	stream.linear.gather [hbm4b:s19+s2], $0x50, $0x38;
	[tilespmem:$0x1DC80] =	vst v63  }
0x36: {  	s21 =	simm.s32 $0x100;
	s20 =	rddreg [dreg:$0x11]  }
0x37: {  	[tilespmem:s21], [sflag:$0x3] =	stream.linear.gather [hbm4b:s20+s2], $0x50, $0x38;
	[tilespmem:$0x1DC80] =	vst v63  }
0x38: {  	s23 =	rddreg [dreg:$0x12]  }
0x39: {  	[tilespmem:s26], [sflag:$0x3] =	stream.linear.gather [hbm4b:s23+s2], $0x50, $0x38;
	[tilespmem:$0x1DC80] =	vst v63  }
0x3a: {  	_ =	swait.ge [sflag:s28], $0x50  }
0x3b: {  	[sflag:s28] =	ssyncset.done $0x0  }
0x3c: {  	[sflag:s28] =	ssyncadd.s32 $0xFFFFFFB0  }
0x3d: {  	_ =	swait.ge [sflag:s28], $0x50  }
0x3e: {  	[sflag:s28] =	ssyncset.done $0x0  }
0x3f: {  	s25 =	simm.s32 $0x2;
	[sflag:s28] =	ssyncadd.s32 $0xFFFFFFB0  }
0x40: {  	[tilespmem:s30], [sflag:$0x5] =	stream.indirect.gather [hbm4b:s4+s29], $0x80, s2, s29, $0xb8;
	[tilespmem:$0x1DC80] =	vst v63  }
0x41: {  	_ =	swait.ge [sflag:s25], $0x50  }
0x42: {  	[sflag:s25] =	ssyncset.done $0x0  }
0x43: {  	[sflag:s25] =	ssyncadd.s32 $0xFFFFFFB0  }
0x44: {  	_ =	swait.ge [sflag:s25], $0x50  }
0x45: {  	[sflag:s25] =	ssyncset.done $0x0  }
0x46: {  	s7 =	simm.s32 @p0 $0xD;
	[sflag:s25] =	ssyncadd.s32 $0xFFFFFFB0  }
0x47: {  	[tilespmem:s0], [sflag:$0x6] =	stream.indirect.gather [hbm4b:s4+s29], $0x80, s18, s29, $0xb8;
	[tilespmem:$0x1DC80] =	vst v63  }
0x48: {  	_ =	swait.ge @p0 [sflag:s7], $0x2080  }
0x49: {  	[sflag:s7] =	ssyncset.done @p0 $0x0  }
0x4a: {  	[sflag:s7] =	ssyncadd.s32 @p0 $0xFFFFDF80;
	s7 =	simm.s32 @!p0 $0xD  }
0x4b: {  	_ =	swait.ge @!p0 [sflag:s7], $0x2780  }
0x4c: {  	[sflag:s7] =	ssyncset.done @!p0 $0x0  }
0x4d: {  	[sflag:s7] =	ssyncadd.s32 @!p0 $0xFFFFD880  }
0x4e: {  	[bflag:$0x0] =	sbarrier.arrive $0xFFFF  }
0x4f: {  	s31 =	rddreg [dreg:$0x13]  }
0x50: {  	[tilespmem:s3], [sflag:$0x4] =	stream.linear.gather [hbm4b:s31+s2], $0x50, $0x38;
	[tilespmem:$0x1DC80] =	vst v63  }
0x51: {  	s19 =	simm.s32 $0x3;
	s18 =	simm.s32 $0x380;
	s8 =	rddreg [dreg:$0x14]  }
0x52: {  	[tilespmem:s18], [sflag:$0x4] =	stream.linear.gather [hbm4b:s8+s2], $0x50, $0x38;
	[tilespmem:$0x1DC80] =	vst v63  }
0x53: {  	_ =	swait.ge [sflag:s19], $0x50  }
0x54: {  	[sflag:s19] =	ssyncset.done $0x0  }
0x55: {  	[sflag:s19] =	ssyncadd.s32 $0xFFFFFFB0  }
0x56: {  	_ =	swait.ge [sflag:s19], $0x50  }
0x57: {  	[sflag:s19] =	ssyncset.done $0x0  }
0x58: {  	[sflag:s19] =	ssyncadd.s32 $0xFFFFFFB0  }
0x59: {  	[tilespmem:s9], [sflag:$0x7] =	stream.indirect.gather [hbm4b:s4+s29], $0x80, s21, s29, $0xb8;
	[tilespmem:$0x1DC80] =	vst v63  }
0x5a: {  	_ =	swait.ge [sflag:s10], $0x2800  }
0x5b: {  	[sflag:s10] =	ssyncset.done $0x0  }
0x5c: {  	[sflag:s10] =	ssyncadd.s32 $0xFFFFD800  }
0x5d: {  	[spmem:s1] =	stream.indirect.scatter.add.f32 [tilespmem:s30], [sflag:$0x9], $0x80, s22, s29, $0xb8;
	[tilespmem:$0x1DC80] =	vst v63  }
0x5e: {  	_ =	swait.ge [sflag:s11], $0x2800  }
0x5f: {  	s20 =	rddreg [dreg:$0x18]  }
0x60: {  	[sflag:s11] =	ssyncset.done $0x0;
	s23 =	sshrl.u32 s20, $0x3  }
0x61: {  	[sflag:s11] =	ssyncadd.s32 $0xFFFFD800;
	s25 =	sadd.s32 s5, s23  }
0x62: {  	[tilespmem:s2], [sflag:$0x1] =	stream.linear.gather [hbm4b:s25+s2], $0x50, $0x38;
	[tilespmem:$0x1DC80] =	vst v63  }
0x63: {  	s7 =	sadd.s32 s6, s23  }
0x64: {  	[tilespmem:s22], [sflag:$0x1] =	stream.linear.gather [hbm4b:s7+s2], $0x50, $0x38;
	[tilespmem:$0x1DC80] =	vst v63  }
0x65: {  	_ =	swait.ge [sflag:s12], $0x50  }
0x66: {  	[sflag:s12] =	ssyncset.done $0x0  }
0x67: {  	[sflag:s12] =	ssyncadd.s32 $0xFFFFFFB0  }
0x68: {  	_ =	swait.ge [sflag:s12], $0x50  }
0x69: {  	[sflag:s12] =	ssyncset.done $0x0  }
0x6a: {  	s31 =	rddreg [dreg:$0x9];
	[sflag:s12] =	ssyncadd.s32 $0xFFFFFFB0  }
0x6b: {  	[tilespmem:s31], [sflag:$0x8] =	stream.indirect.gather [hbm4b:s4+s29], $0x80, s3, s29, $0xb8;
	[tilespmem:$0x1DC80] =	vst v63  }
0x6c: {  	_ =	swait.ge [sflag:s13], $0x2800  }
0x6d: {  	[sflag:s13] =	ssyncset.done $0x0  }
0x6e: {  	p1 =	por $0x0, $0x0;
	[sflag:s13] =	ssyncadd.s32 $0xFFFFD800  }
0x6f: {  	[spmem:s1] =	stream.indirect.scatter.add.f32 [tilespmem:s0], [sflag:$0xA], $0x80, s24, s29, $0xb8;
	[tilespmem:$0x1DC80] =	vst v63  }
0x70: {  	s23 =	simm.s32 @!p1 $0x80;
	_ =	swait.ge [sflag:s14], $0x2800  }
0x71: {  	s7 =	simm.s32 @!p1 $0x0;
	s8 =	rddreg [dreg:$0x8];
	[sflag:s14] =	ssyncset.done $0x0  }
0x72: {  	s21 =	rddreg [dreg:$0x7];
	[sflag:s14] =	ssyncadd.s32 $0xFFFFD800;
	s8 =	sadd.s32 @!p1 $0x0, s8  }
0x73: {  	[tilespmem:s23], [sflag:$0x2] =	stream.linear.gather @!p1 [hbm4b:s8+s7], $0x50, $0x38;
	[tilespmem:$0x1DC80] =	vst v63  }
0x74: {  	s21 =	sadd.s32 @!p1 $0x0, s21;
	s8 =	simm.s32 @!p1 $0x280  }
0x75: {  	[tilespmem:s8], [sflag:$0x2] =	stream.linear.gather @!p1 [hbm4b:s21+s7], $0x50, $0x38;
	[tilespmem:$0x1DC80] =	vst v63  }
0x76: {  	_ =	swait.ge [sflag:s28], $0x50  }
0x77: {  	[sflag:s28] =	ssyncset.done $0x0  }
0x78: {  	[sflag:s28] =	ssyncadd.s32 $0xFFFFFFB0  }
0x79: {  	_ =	swait.ge [sflag:s28], $0x50  }
0x7a: {  	[sflag:s28] =	ssyncset.done $0x0  }
0x7b: {  	[sflag:s28] =	ssyncadd.s32 $0xFFFFFFB0  }
0x7c: {  	[tilespmem:s30], [sflag:$0x5] =	stream.indirect.gather [hbm4b:s4+s29], $0x80, s2, s29, $0xb8;
	[tilespmem:$0x1DC80] =	vst v63  }
0x7d: {  	_ =	swait.ge [sflag:s15], $0x2800  }
0x7e: {  	[sflag:s15] =	ssyncset.done $0x0  }
0x7f: {  	[sflag:s15] =	ssyncadd.s32 $0xFFFFD800  }
0x80: {  	[spmem:s1] =	stream.indirect.scatter.add.f32 [tilespmem:s9], [sflag:$0xB], $0x80, s26, s29, $0xb8;
	[tilespmem:$0x1DC80] =	vst v63  }
0x81: {  	_ =	swait.ge [sflag:s16], $0x2800  }
0x82: {  	[sflag:s16] =	ssyncset.done $0x0  }
0x83: {  	s8 =	simm.s32 @p1 $0x8;
	[sflag:s16] =	ssyncadd.s32 $0xFFFFD800  }
0x84: {  	_ =	swait.ge @p1 [sflag:s8], $0x2800  }
0x85: {  	s25 =	simm.s32 @p1 $0x50;
	s31 =	simm.s32 @p1 $0x380;
	[sflag:s8] =	ssyncset.done @p1 $0x0  }
0x86: {  	s21 =	simm.s32 @p1 $0x7C00;
	[sflag:s8] =	ssyncadd.s32 @p1 $0xFFFFD800;
	s8 =	simm.s32 @p1 $0xC  }
0x87: {  	[spmem:s1] =	stream.indirect.scatter.add.f32 @p1 [tilespmem:s21], [sflag:$0xC], $0x80, s31, s25, $0xb8;
	[tilespmem:$0x1DC80] =	vst v63  }
0x88: {  	_ =	swait.ge @p1 [sflag:s8], $0x2800  }
0x89: {  	s21 =	rddreg [dreg:$0x6]  }
0x8a: {  	[sflag:s8] =	ssyncset.done @p1 $0x0;
	s25 =	rddreg [dreg:$0x5]  }
0x8b: {  	[sflag:s8] =	ssyncadd.s32 @p1 $0xFFFFD800;
	s8 =	sadd.s32 @!p1 $0x0, s21;
	s21 =	simm.s32 @!p1 $0x100  }
0x8c: {  	[tilespmem:s21], [sflag:$0x3] =	stream.linear.gather @!p1 [hbm4b:s8+s7], $0x50, $0x38;
	[tilespmem:$0x1DC80] =	vst v63  }
0x8d: {  	s31 =	simm.s32 @!p1 $0x2;
	s25 =	sadd.s32 @!p1 $0x0, s25;
	s8 =	simm.s32 @!p1 $0x300  }
0x8e: {  	[tilespmem:s8], [sflag:$0x3] =	stream.linear.gather @!p1 [hbm4b:s25+s7], $0x50, $0x38;
	[tilespmem:$0x1DC80] =	vst v63  }
0x8f: {  	_ =	swait.ge @!p1 [sflag:s31], $0x50  }
0x90: {  	[sflag:s31] =	ssyncset.done @!p1 $0x0  }
0x91: {  	[sflag:s31] =	ssyncadd.s32 @!p1 $0xFFFFFFB0  }
0x92: {  	_ =	swait.ge @!p1 [sflag:s31], $0x50  }
0x93: {  	s8 =	simm.s32 @!p1 $0x50;
	[sflag:s31] =	ssyncset.done @!p1 $0x0  }
0x94: {  	s25 =	simm.s32 @!p1 $0x2C00;
	[sflag:s31] =	ssyncadd.s32 @!p1 $0xFFFFFFB0;
	s31 =	simm.s32 @!p1 $0x8  }
0x95: {  	[tilespmem:s25], [sflag:$0x6] =	stream.indirect.gather @!p1 [hbm4b:s4+s8], $0x80, s23, s8, $0xb8;
	[tilespmem:$0x1DC80] =	vst v63  }
0x96: {  	_ =	swait.ge @!p1 [sflag:s31], $0x2800  }
0x97: {  	s23 =	simm.s32 @!p1 $0x380;
	[sflag:s31] =	ssyncset.done @!p1 $0x0  }
0x98: {  	s25 =	simm.s32 @!p1 $0x7C00;
	[sflag:s31] =	ssyncadd.s32 @!p1 $0xFFFFD800;
	s31 =	simm.s32 @!p1 $0xC  }
0x99: {  	[spmem:s1] =	stream.indirect.scatter.add.f32 @!p1 [tilespmem:s25], [sflag:$0xC], $0x80, s23, s8, $0xb8;
	[tilespmem:$0x1DC80] =	vst v63  }
0x9a: {  	_ =	swait.ge @!p1 [sflag:s31], $0x2800  }
0x9b: {  	s25 =	rddreg [dreg:$0x4]  }
0x9c: {  	[sflag:s31] =	ssyncset.done @!p1 $0x0;
	s18 =	rddreg [dreg:$0x3]  }
0x9d: {  	[sflag:s31] =	ssyncadd.s32 @!p1 $0xFFFFD800;
	s25 =	sadd.s32 @!p1 $0x0, s25;
	s31 =	simm.s32 @!p1 $0x180  }
0x9e: {  	[tilespmem:s31], [sflag:$0x4] =	stream.linear.gather @!p1 [hbm4b:s25+s7], $0x50, $0x38;
	[tilespmem:$0x1DC80] =	vst v63  }
0x9f: {  	s18 =	sadd.s32 @!p1 $0x0, s18  }
0xa0: {  	[tilespmem:s23], [sflag:$0x4] =	stream.linear.gather @!p1 [hbm4b:s18+s7], $0x50, $0x38;
	[tilespmem:$0x1DC80] =	vst v63  }
0xa1: {  	s7 =	simm.s32 @!p1 $0x3  }
0xa2: {  	_ =	swait.ge @!p1 [sflag:s7], $0x50  }
0xa3: {  	[sflag:s7] =	ssyncset.done @!p1 $0x0  }
0xa4: {  	[sflag:s7] =	ssyncadd.s32 @!p1 $0xFFFFFFB0  }
0xa5: {  	_ =	swait.ge @!p1 [sflag:s7], $0x50  }
0xa6: {  	[sflag:s7] =	ssyncset.done @!p1 $0x0  }
0xa7: {  	[sflag:s7] =	ssyncadd.s32 @!p1 $0xFFFFFFB0;
	s7 =	simm.s32 @!p1 $0x5400  }
0xa8: {  	[tilespmem:s7], [sflag:$0x7] =	stream.indirect.gather @!p1 [hbm4b:s4+s8], $0x80, s21, s8, $0xb8;
	[tilespmem:$0x1DC80] =	vst v63  }
0xa9: {  	_ =	swait.ge [sflag:s10], $0x2800  }
0xaa: {  	s23 =	simm.s32 $0x28;
	s21 =	smov.u32 s20;
	[sflag:s10] =	ssyncset.done $0x0  }
.LBB2_2:
0xab: {  	[sflag:s10] =	ssyncadd.s32 $0xFFFFD800  }
0xac: {  	[spmem:s1] =	stream.indirect.scatter.add.f32 [tilespmem:s30], [sflag:$0x9], $0x80, s22, s29, $0xb8;
	[tilespmem:$0x1DC80] =	vst v63  }
0xad: {  	s21 =	sadd.s32 $0x140, s21;
	_ =	swait.ge [sflag:s11], $0x2800  }
0xae: {  	s8 =	sshrl.u32 s21, $0x3;
	[sflag:s11] =	ssyncset.done $0x0  }
0xaf: {  	s18 =	sadd.s32 s5, s8;
	[sflag:s11] =	ssyncadd.s32 $0xFFFFD800  }
0xb0: {  	[tilespmem:s2], [sflag:$0x1] =	stream.linear.gather [hbm4b:s18+s2], $0x50, $0x38;
	[tilespmem:$0x1DC80] =	vst v63  }
0xb1: {  	s8 =	sadd.s32 s6, s8  }
0xb2: {  	[tilespmem:s22], [sflag:$0x1] =	stream.linear.gather [hbm4b:s8+s2], $0x50, $0x38;
	[tilespmem:$0x1DC80] =	vst v63  }
0xb3: {  	_ =	swait.ge [sflag:s12], $0x50  }
0xb4: {  	[sflag:s12] =	ssyncset.done $0x0  }
0xb5: {  	[sflag:s12] =	ssyncadd.s32 $0xFFFFFFB0  }
0xb6: {  	_ =	swait.ge [sflag:s12], $0x50  }
0xb7: {  	[sflag:s12] =	ssyncset.done $0x0  }
0xb8: {  	s31 =	rddreg [dreg:$0x9];
	[sflag:s12] =	ssyncadd.s32 $0xFFFFFFB0  }
0xb9: {  	[tilespmem:s31], [sflag:$0x8] =	stream.indirect.gather [hbm4b:s4+s29], $0x80, s3, s29, $0xb8;
	[tilespmem:$0x1DC80] =	vst v63  }
0xba: {  	_ =	swait.ge [sflag:s13], $0x2800  }
0xbb: {  	s7 =	smov.u32 s23;
	[sflag:s13] =	ssyncset.done $0x0  }
0xbc: {  	p2 =	seq.s32 s7, $0x4B0;
	[sflag:s13] =	ssyncadd.s32 $0xFFFFD800  }
0xbd: {  	[spmem:s1] =	stream.indirect.scatter.add.f32 [tilespmem:s0], [sflag:$0xA], $0x80, s24, s29, $0xb8;
	[tilespmem:$0x1DC80] =	vst v63  }
0xbe: {  	s25 =	simm.s32 @!p2 $0x0;
	_ =	swait.ge [sflag:s14], $0x2800  }
0xbf: {  	s31 =	simm.s32 @!p2 $0x80;
	s8 =	rddreg [dreg:$0x8];
	[sflag:s14] =	ssyncset.done $0x0  }
0xc0: {  	s18 =	rddreg [dreg:$0x7];
	[sflag:s14] =	ssyncadd.s32 $0xFFFFD800;
	s8 =	sadd.s32 @!p2 s7, s8  }
0xc1: {  	[tilespmem:s31], [sflag:$0x2] =	stream.linear.gather @!p2 [hbm4b:s8+s25], $0x50, $0x38;
	[tilespmem:$0x1DC80] =	vst v63  }
0xc2: {  	s19 =	simm.s32 @!p2 $0x280;
	s8 =	sadd.s32 @!p2 s7, s18  }
0xc3: {  	[tilespmem:s19], [sflag:$0x2] =	stream.linear.gather @!p2 [hbm4b:s8+s25], $0x50, $0x38;
	[tilespmem:$0x1DC80] =	vst v63  }
0xc4: {  	_ =	swait.ge [sflag:s28], $0x50  }
0xc5: {  	[sflag:s28] =	ssyncset.done $0x0  }
0xc6: {  	[sflag:s28] =	ssyncadd.s32 $0xFFFFFFB0  }
0xc7: {  	_ =	swait.ge [sflag:s28], $0x50  }
0xc8: {  	[sflag:s28] =	ssyncset.done $0x0  }
0xc9: {  	[sflag:s28] =	ssyncadd.s32 $0xFFFFFFB0  }
0xca: {  	[tilespmem:s30], [sflag:$0x5] =	stream.indirect.gather [hbm4b:s4+s29], $0x80, s2, s29, $0xb8;
	[tilespmem:$0x1DC80] =	vst v63  }
0xcb: {  	_ =	swait.ge [sflag:s15], $0x2800  }
0xcc: {  	[sflag:s15] =	ssyncset.done $0x0  }
0xcd: {  	[sflag:s15] =	ssyncadd.s32 $0xFFFFD800  }
0xce: {  	[spmem:s1] =	stream.indirect.scatter.add.f32 [tilespmem:s9], [sflag:$0xB], $0x80, s26, s29, $0xb8;
	[tilespmem:$0x1DC80] =	vst v63  }
0xcf: {  	_ =	swait.ge [sflag:s16], $0x2800  }
0xd0: {  	[sflag:s16] =	ssyncset.done $0x0  }
0xd1: {  	s8 =	simm.s32 @p2 $0x8;
	[sflag:s16] =	ssyncadd.s32 $0xFFFFD800  }
0xd2: {  	_ =	swait.ge @p2 [sflag:s8], $0x2800  }
0xd3: {  	s20 =	simm.s32 @p2 $0x380;
	s18 =	simm.s32 @p2 $0x7C00;
	[sflag:s8] =	ssyncset.done @p2 $0x0  }
0xd4: {  	s19 =	simm.s32 @p2 $0x50;
	[sflag:s8] =	ssyncadd.s32 @p2 $0xFFFFD800;
	s8 =	simm.s32 @p2 $0xC  }
0xd5: {  	[spmem:s1] =	stream.indirect.scatter.add.f32 @p2 [tilespmem:s18], [sflag:$0xC], $0x80, s20, s19, $0xb8;
	[tilespmem:$0x1DC80] =	vst v63  }
0xd6: {  	_ =	swait.ge @p2 [sflag:s8], $0x2800  }
0xd7: {  	s18 =	rddreg [dreg:$0x6]  }
0xd8: {  	[sflag:s8] =	ssyncset.done @p2 $0x0;
	s19 =	rddreg [dreg:$0x5]  }
0xd9: {  	[sflag:s8] =	ssyncadd.s32 @p2 $0xFFFFD800;
	s18 =	sadd.s32 @!p2 s7, s18;
	s8 =	simm.s32 @!p2 $0x100  }
0xda: {  	[tilespmem:s8], [sflag:$0x3] =	stream.linear.gather @!p2 [hbm4b:s18+s25], $0x50, $0x38;
	[tilespmem:$0x1DC80] =	vst v63  }
0xdb: {  	s20 =	simm.s32 @!p2 $0x300;
	s18 =	sadd.s32 @!p2 s7, s19;
	s19 =	simm.s32 @!p2 $0x2  }
0xdc: {  	[tilespmem:s20], [sflag:$0x3] =	stream.linear.gather @!p2 [hbm4b:s18+s25], $0x50, $0x38;
	[tilespmem:$0x1DC80] =	vst v63  }
0xdd: {  	_ =	swait.ge @!p2 [sflag:s19], $0x50  }
0xde: {  	[sflag:s19] =	ssyncset.done @!p2 $0x0  }
0xdf: {  	[sflag:s19] =	ssyncadd.s32 @!p2 $0xFFFFFFB0  }
0xe0: {  	_ =	swait.ge @!p2 [sflag:s19], $0x50  }
0xe1: {  	s18 =	simm.s32 @!p2 $0x50;
	[sflag:s19] =	ssyncset.done @!p2 $0x0  }
0xe2: {  	s20 =	simm.s32 @!p2 $0x2C00;
	[sflag:s19] =	ssyncadd.s32 @!p2 $0xFFFFFFB0;
	s19 =	simm.s32 @!p2 $0x8  }
0xe3: {  	[tilespmem:s20], [sflag:$0x6] =	stream.indirect.gather @!p2 [hbm4b:s4+s18], $0x80, s31, s18, $0xb8;
	[tilespmem:$0x1DC80] =	vst v63  }
0xe4: {  	_ =	swait.ge @!p2 [sflag:s19], $0x2800  }
0xe5: {  	s20 =	simm.s32 @!p2 $0x380;
	[sflag:s19] =	ssyncset.done @!p2 $0x0  }
0xe6: {  	s31 =	simm.s32 @!p2 $0x7C00;
	[sflag:s19] =	ssyncadd.s32 @!p2 $0xFFFFD800;
	s19 =	simm.s32 @!p2 $0xC  }
0xe7: {  	[spmem:s1] =	stream.indirect.scatter.add.f32 @!p2 [tilespmem:s31], [sflag:$0xC], $0x80, s20, s18, $0xb8;
	[tilespmem:$0x1DC80] =	vst v63  }
0xe8: {  	_ =	swait.ge @!p2 [sflag:s19], $0x2800  }
0xe9: {  	s31 =	rddreg [dreg:$0x4]  }
0xea: {  	[sflag:s19] =	ssyncset.done @!p2 $0x0;
	s17 =	rddreg [dreg:$0x3]  }
0xeb: {  	[sflag:s19] =	ssyncadd.s32 @!p2 $0xFFFFD800;
	s19 =	sadd.s32 @!p2 s7, s31;
	s31 =	simm.s32 @!p2 $0x180  }
0xec: {  	[tilespmem:s31], [sflag:$0x4] =	stream.linear.gather @!p2 [hbm4b:s19+s25], $0x50, $0x38;
	[tilespmem:$0x1DC80] =	vst v63  }
0xed: {  	s7 =	sadd.s32 @!p2 s7, s17;
	s17 =	simm.s32 @!p2 $0x3  }
0xee: {  	[tilespmem:s20], [sflag:$0x4] =	stream.linear.gather @!p2 [hbm4b:s7+s25], $0x50, $0x38;
	[tilespmem:$0x1DC80] =	vst v63  }
0xef: {  	_ =	swait.ge @!p2 [sflag:s17], $0x50  }
0xf0: {  	[sflag:s17] =	ssyncset.done @!p2 $0x0  }
0xf1: {  	s23 =	sadd.s32 $0x28, s23;
	[sflag:s17] =	ssyncadd.s32 @!p2 $0xFFFFFFB0  }
0xf2: {  	p1 =	sne.s32 s23, $0x4D8;
	_ =	swait.ge @!p2 [sflag:s17], $0x50  }
.Ltmp0:
0xf3: {  	[sflag:s17] =	ssyncset.done @!p2 $0x0;
	(pc) =	sbr.rel @p1 .LBB2_2-.Ltmp0, $4  }
0xf4: {  	s7 =	simm.s32 @!p2 $0x5400;
	[sflag:s17] =	ssyncadd.s32 @!p2 $0xFFFFFFB0  }
0xf5: {  	[tilespmem:s7], [sflag:$0x7] =	stream.indirect.gather @!p2 [hbm4b:s4+s18], $0x80, s8, s18, $0xb8;
	[tilespmem:$0x1DC80] =	vst v63  }
0xf6: {  	_ =	swait.ge [sflag:s10], $0x2800  }
0xf7: {  	[sflag:s10] =	ssyncset.done $0x0  }
0xf8: {  	[sflag:s10] =	ssyncadd.s32 $0xFFFFD800  }
0xf9: {  	[spmem:s1] =	stream.indirect.scatter.add.f32 [tilespmem:s30], [sflag:$0x9], $0x80, s22, s29, $0xb8;
	[tilespmem:$0x1DC80] =	vst v63  }
0xfa: {  	_ =	swait.ge [sflag:s11], $0x2800  }
0xfb: {  	[sflag:s11] =	ssyncset.done $0x0  }
0xfc: {  	[sflag:s11] =	ssyncadd.s32 $0xFFFFD800  }
0xfd: {  	[bflag:$0x0] =	sbarrier.arrive $0xFFFF  }
0xfe: {  	s8 =	rddreg [dreg:$0x16]  }
0xff: {  	s7 =	simm.s32 @p0 $0x1FCE;
	s17 =	rddreg [dreg:$0x1c]  }
0x100: {  	[hbm:s8], [sflag:s7] =	dma.local @p0 [spmem:s17], $0x2080  }
0x101: {  	s7 =	simm.s32 @p0 $0xE  }
0x102: {  	_ =	swait.ge @p0 [sflag:s7], $0x2080  }
0x103: {  	[sflag:s7] =	ssyncset.done @p0 $0x0;
	s8 =	rddreg [dreg:$0x15]  }
0x104: {  	[sflag:s7] =	ssyncadd.s32 @p0 $0xFFFFDF80;
	s7 =	rddreg [dreg:$0x1a]  }
0x105: {  	s17 =	rddreg [dreg:$0x1b];
	s7 =	sor.u32 @!p0 $0x1C0E, s7  }
0x106: {  	[hbm:s8], [sflag:s7] =	dma.local @!p0 [spmem:s17], $0x2780  }
0x107: {  	s7 =	simm.s32 @!p0 $0xE  }
0x108: {  	_ =	swait.ge @!p0 [sflag:s7], $0x2780  }
0x109: {  	s25 =	rddreg [dreg:$0x19]  }
0x10a: {  	s31 =	rddreg [dreg:$0x17];
	s17 =	sadd.s32 $0x1, s25  }
0x10b: {  	p1 =	sne.s32 s17, s31  }
.Ltmp1:
0x10c: {  	_ = 	snop;
	(pc) =	sbr.rel @p1 .LBB2_1-.Ltmp1, $3  }
0x10d: {  	_ =	sdelay $0x1  }
0x10e: {  	[sflag:s7] =	ssyncset.done @!p0 $0x0  }
0x10f: {  	[sflag:s7] =	ssyncadd.s32 @!p0 $0xFFFFD880  }
0x110: {  	_ =	sfence.sel $0x180000  }
0x111: {  	[bflag:$0x0] =	sbarrier.arrive $0xFFFF  }
0x112: {  	_ =	strace $0x9000004A  }
0x113: {  	s0 =	stileid.u32;
	[bflag:$0x2] =	sbarrier.arrive $0xFFFF  }
0x114: {  	p0 =	sne.s32 s0, $0x0;
	s0 =	rddreg [dreg:$0x2]  }
0x115: {  	s0 =	sadd.s32 @!p0 $0x100000, s0  }
0x116: {  	[sflag:s0] =	ssyncadd.tile.s32 @!p0 $0x1;
	_ =	shalt  }
.Lfunc_end2:
_tile_overlayer_lowered:
.L_overlay_start_2:
0x117: {  	(tag) =	ssettag $0x2  }
0x118: {  	s0 =	rddreg [dreg:$0x0];
	s2 =	stileid.u32  }
0x119: {  	s1 =	rddreg [dreg:$0x1];
	p0 =	sne.s32 s2, $0x0  }
0x11a: {  	s3 =	rddreg [dreg:$0x2];
	[bflag:$0x3] =	sbarrier.arrive $0xFFFF;
	s2 =	simm.s32 @!p0 $0x1C0E  }
0x11b: {  	[timem:s3], [sflag:s2] =	dma.local @!p0 [hbm:s0], s1  }
0x11c: {  	s0 =	simm.s32 @!p0 $0xE  }
0x11d: {  	_ =	swait.ge @!p0 [sflag:s0], s1  }
0x11e: {  	s1 =	ssub.s32 @!p0 $0x0, s1;
	[sflag:s0] =	ssyncset.done @!p0 $0x0  }
0x11f: {  	[sflag:s0] =	ssyncadd.s32 @!p0 s1  }
0x120: {  	[bflag:$0x3] =	sbarrier.arrive $0xFFFF  }
0x121: {  	_ =	shalt  }

</sc_bundles>
